<compile_context>
chip_gen: v7x
topology: tpu7x:2x2x1
jax: 0.10.2.dev20260603
libtpu: 0.0.44.dev20260713+nightly
codegen_flags: <defaults>
</compile_context>

<pallas_src>
import functools

import jax
import jax.numpy as jnp
from jax import lax
from jax.experimental import pallas as pl
from jax.experimental.pallas import tpu as pltpu
from jax.experimental.pallas import tpu_sc as plsc

BATCH = 16384
DIM = 16
HD = 8
W = 16
NC = 2
NS = 16
NW = NC * NS
B_PER_W = BATCH // NW
CH = 16
NCHUNK = B_PER_W // CH


def _sc_body(users_hbm, items_hbm, utab_hbm, itab_hbm, out_hbm,
             idx_v, sub_v, ua_v, ub_v, ia_v, ib_v, out_v, sema, semb):
    wid = lax.axis_index("s") * NC + lax.axis_index("c")
    base = wid * B_PER_W

    pltpu.sync_copy(users_hbm.at[pl.ds(base, B_PER_W)], idx_v.at[0])
    pltpu.sync_copy(items_hbm.at[pl.ds(base, B_PER_W)], idx_v.at[1])

    lane = lax.iota(jnp.int32, 16)

    def prep_body(k, carry):
        for t in range(2):
            raw = idx_v[t, pl.ds(k * 16, 16)]
            idx_v[t, pl.ds(k * 16, 16)] = lax.bitwise_and(raw, ~15)
            sub_v[t, pl.ds(k * 16, 16)] = lax.bitwise_and(raw, 15)
        return carry

    lax.fori_loop(0, B_PER_W // 16, prep_body, 0, unroll=False)

    def fire(c, urows, irows, sem):
        uvec = idx_v[0, pl.ds(c * CH, 16)]
        ivec = idx_v[1, pl.ds(c * CH, 16)]

        def fire_j(j, carry):
            m = lane == j
            uc = pl.multiple_of(jnp.sum(jnp.where(m, uvec, 0)), W)
            ic = pl.multiple_of(jnp.sum(jnp.where(m, ivec, 0)), W)
            dst = pl.ds(j * W, W)
            for h in range(2):
                pltpu.async_copy(
                    utab_hbm.at[pl.ds(h * HD, HD), pl.ds(uc, W)],
                    urows.at[pl.ds(h * HD, HD), dst], sem)
                pltpu.async_copy(
                    itab_hbm.at[pl.ds(h * HD, HD), pl.ds(ic, W)],
                    irows.at[pl.ds(h * HD, HD), dst], sem)
            return carry

        lax.fori_loop(0, 16, fire_j, 0, unroll=False)

    def drain(urows, irows, sem):
        pltpu.make_async_copy(utab_hbm.at[pl.ds(0, DIM), pl.ds(0, CH * W)],
                              urows, sem).wait()
        pltpu.make_async_copy(itab_hbm.at[pl.ds(0, DIM), pl.ds(0, CH * W)],
                              irows, sem).wait()

    def compute(c, urows, irows):
        ucols = lane * W + sub_v[0, pl.ds(c * CH, 16)]
        icols = lane * W + sub_v[1, pl.ds(c * CH, 16)]

        def dot_d(d, acc):
            dvec = jnp.full((16,), d, jnp.int32)
            uu = plsc.load_gather(urows, [dvec, ucols])
            vv = plsc.load_gather(irows, [dvec, icols])
            return acc + uu * vv

        acc = lax.fori_loop(0, DIM, dot_d, jnp.zeros((16,), jnp.float32),
                            unroll=False)
        out_v[pl.ds(c * CH, 16)] = 1.0 / (1.0 + jnp.exp(-acc))

    fire(0, ua_v, ia_v, sema)

    def pair_body(k, carry):
        ca = 2 * k
        fire(ca + 1, ub_v, ib_v, semb)
        drain(ua_v, ia_v, sema)
        compute(ca, ua_v, ia_v)
        fire(ca + 2, ua_v, ia_v, sema)
        drain(ub_v, ib_v, semb)
        compute(ca + 1, ub_v, ib_v)
        return carry

    lax.fori_loop(0, NCHUNK // 2 - 1, pair_body, 0, unroll=False)

    fire(NCHUNK - 1, ub_v, ib_v, semb)
    drain(ua_v, ia_v, sema)
    compute(NCHUNK - 2, ua_v, ia_v)
    drain(ub_v, ib_v, semb)
    compute(NCHUNK - 1, ub_v, ib_v)

    pltpu.sync_copy(out_v, out_hbm.at[pl.ds(base, B_PER_W)])


def kernel(users, items, group, group_items, user_table, item_table,
           group_table, group_item_table):
    utab = user_table.T
    itab = item_table.T
    mesh = plsc.VectorSubcoreMesh(core_axis_name="c", subcore_axis_name="s")
    run = functools.partial(
        pl.kernel,
        mesh=mesh,
        compiler_params=pltpu.CompilerParams(
            needs_layout_passes=False, use_tc_tiling_on_sc=True),
        out_type=jax.ShapeDtypeStruct((BATCH,), jnp.float32),
        scratch_types=[
            pltpu.VMEM((2, B_PER_W), jnp.int32),
            pltpu.VMEM((2, B_PER_W), jnp.int32),
            pltpu.VMEM((DIM, CH * W), jnp.float32),
            pltpu.VMEM((DIM, CH * W), jnp.float32),
            pltpu.VMEM((DIM, CH * W), jnp.float32),
            pltpu.VMEM((DIM, CH * W), jnp.float32),
            pltpu.VMEM((B_PER_W,), jnp.float32),
            pltpu.SemaphoreType.DMA,
            pltpu.SemaphoreType.DMA,
        ],
    )(_sc_body)
    return run(users, items, utab, itab)

# --- scband reference (transcript-rebuilt; emitter-appended) ---
"""Pipeline reference for scband-pure-mf-46840913330231 (READ-ONLY COPY).

The authoritative reference and input builder live on the scoring server;
editing this copy changes nothing except your own understanding.
"""

import jax, jax.numpy as jnp
import numpy as np

NUM_USERS = 1000000
NUM_GROUPS = 100000
NUM_ITEMS = 1000000
NUM_GROUP_ITEMS = 100000
LATENT_DIM = 16
BATCH = 16384


def setup_inputs(seed: int = 0) -> dict:
    key = jax.random.key(seed)
    k1, k2, k3, k4, k5, k6, k7, k8 = jax.random.split(key, 8)
    users = jax.random.randint(k1, (BATCH,), 0, NUM_USERS, dtype=jnp.int64 if jax.config.jax_enable_x64 else jnp.int32)
    items = jax.random.randint(k2, (BATCH,), 0, NUM_ITEMS, dtype=jnp.int64 if jax.config.jax_enable_x64 else jnp.int32)
    group = jax.random.randint(k3, (BATCH,), 0, NUM_GROUPS, dtype=jnp.int64 if jax.config.jax_enable_x64 else jnp.int32)
    group_items = jax.random.randint(k4, (BATCH,), 0, NUM_GROUP_ITEMS, dtype=jnp.int64 if jax.config.jax_enable_x64 else jnp.int32)
    # learned parameters (torch nn.Embedding default init is N(0,1))
    user_table = jax.random.normal(k5, (NUM_USERS, LATENT_DIM), dtype=jnp.float32)
    item_table = jax.random.normal(k6, (NUM_ITEMS, LATENT_DIM), dtype=jnp.float32)
    group_table = jax.random.normal(k7, (NUM_GROUPS, LATENT_DIM), dtype=jnp.float32)
    group_item_table = jax.random.normal(k8, (NUM_GROUP_ITEMS, LATENT_DIM), dtype=jnp.float32)
    return {
        'users': users,
        'items': items,
        'group': group,
        'group_items': group_items,
        'user_table': user_table,
        'item_table': item_table,
        'group_table': group_table,
        'group_item_table': group_item_table,
    }


def reference(users, items, group, group_items, user_table, item_table, group_table, group_item_table):
    # PureMF.forward: group is not None and users is None -> group path, else user path.
    # Here users is not None, so user_forward runs.
    users_emb = jnp.take(user_table, users, axis=0)
    items_emb = jnp.take(item_table, items, axis=0)
    scores = jnp.sum(users_emb * items_emb, axis=1)
    return jax.nn.sigmoid(scores)

if __name__ == "__main__":
    import jax
    _d = setup_inputs()
    print(jax.jit(kernel)(*tuple(_d.values())))

</pallas_src>

<mosaic_0001>
#map = affine_map<(d0, d1) -> (0)>
#map1 = affine_map<(d0, d1) -> (0, 0)>
module attributes {stable_mosaic.version = 14 : i64} {
  func.func @_sc_body(%arg0: i32, %arg1: i32, %arg2: memref<16384xi32, #tpu.memory_space<hbm>>, %arg3: memref<16384xi32, #tpu.memory_space<hbm>>, %arg4: memref<16x1000000xf32, #tpu.memory_space<hbm>>, %arg5: memref<16x1000000xf32, #tpu.memory_space<hbm>>, %arg6: memref<16384xf32, #tpu.memory_space<hbm>>, %arg7: memref<2x512xi32, #tpu.memory_space<vmem>>, %arg8: memref<2x512xi32, #tpu.memory_space<vmem>>, %arg9: memref<16x256xf32, #tpu.memory_space<vmem>>, %arg10: memref<16x256xf32, #tpu.memory_space<vmem>>, %arg11: memref<16x256xf32, #tpu.memory_space<vmem>>, %arg12: memref<16x256xf32, #tpu.memory_space<vmem>>, %arg13: memref<512xf32, #tpu.memory_space<vmem>>, %arg14: memref<!tpu.dma_semaphore, #tpu.memory_space<semaphore_mem>>, %arg15: memref<!tpu.dma_semaphore, #tpu.memory_space<semaphore_mem>>) attributes {dimension_semantics = [#tpu.dimension_semantics<core_parallel>, #tpu.dimension_semantics<subcore_parallel>], iteration_bounds = array<i64: 2, 16>, scalar_prefetch = 0 : i64, scratch_operands = 9 : i64, tpu.core_type = #tpu.core_type<sc_vector_subcore>, window_params = [{transform_indices = #map}, {transform_indices = #map}, {transform_indices = #map1}, {transform_indices = #map1}, {transform_indices = #map}]} {
    %mul3A = arith.constant 2 : i32
    %mul3A_0 = arith.muli %arg1, %mul3A : i32
    %add3A = arith.addi %mul3A_0, %arg0 : i32
    %mul3A_1 = arith.constant 512 : i32
    %mul3A_2 = arith.muli %add3A, %mul3A_1 : i32
    %run_scoped3A = arith.constant 0 : i32
    "tpu.region"() ({
      %run_scoped3A_132 = tpu.sem_alloc : memref<!tpu.dma_semaphore, #tpu.memory_space<semaphore_mem>>
      %dma_start3A = arith.constant 0 : i32
      %dma_start3A_133 = tpu.memref_slice %arg7[%run_scoped3A, %dma_start3A] : memref<2x512xi32, #tpu.memory_space<vmem>> -> memref<1x512xi32, #tpu.memory_space<vmem>>
      %dma_start3A_134 = tpu.memref_squeeze %dma_start3A_133 : memref<1x512xi32, #tpu.memory_space<vmem>> -> memref<512xi32, #tpu.memory_space<vmem>>
      %dma_start3A_135 = tpu.memref_slice %arg2[%mul3A_2] : memref<16384xi32, #tpu.memory_space<hbm>> -> memref<512xi32, #tpu.memory_space<hbm>>
      %dma_start3A_136 = arith.constant 0 : i32
      %dma_start3A_137 = tpu.memref_slice %arg7[%run_scoped3A, %dma_start3A_136] : memref<2x512xi32, #tpu.memory_space<vmem>> -> memref<1x512xi32, #tpu.memory_space<vmem>>
      %dma_start3A_138 = tpu.memref_squeeze %dma_start3A_137 : memref<1x512xi32, #tpu.memory_space<vmem>> -> memref<512xi32, #tpu.memory_space<vmem>>
      %dma_start3A_139 = tpu.memref_slice %arg2[%mul3A_2] : memref<16384xi32, #tpu.memory_space<hbm>> -> memref<512xi32, #tpu.memory_space<hbm>>
      tpu.enqueue_dma source(%dma_start3A_139 : memref<512xi32, #tpu.memory_space<hbm>>) target(%dma_start3A_138 : memref<512xi32, #tpu.memory_space<vmem>>) target_semaphore(%run_scoped3A_132 : memref<!tpu.dma_semaphore, #tpu.memory_space<semaphore_mem>>)
      %dma_wait3A_140 = arith.constant 0 : i32
      %dma_wait3A_141 = tpu.memref_slice %arg7[%run_scoped3A, %dma_wait3A_140] : memref<2x512xi32, #tpu.memory_space<vmem>> -> memref<1x512xi32, #tpu.memory_space<vmem>>
      %dma_wait3A_142 = tpu.memref_squeeze %dma_wait3A_141 : memref<1x512xi32, #tpu.memory_space<vmem>> -> memref<512xi32, #tpu.memory_space<vmem>>
      %dma_wait3A_143 = tpu.memref_slice %arg2[%mul3A_2] : memref<16384xi32, #tpu.memory_space<hbm>> -> memref<512xi32, #tpu.memory_space<hbm>>
      %dma_wait3A_144 = arith.constant 0 : i32
      %dma_wait3A_145 = tpu.memref_slice %arg7[%run_scoped3A, %dma_wait3A_144] : memref<2x512xi32, #tpu.memory_space<vmem>> -> memref<1x512xi32, #tpu.memory_space<vmem>>
      %dma_wait3A_146 = tpu.memref_squeeze %dma_wait3A_145 : memref<1x512xi32, #tpu.memory_space<vmem>> -> memref<512xi32, #tpu.memory_space<vmem>>
      %dma_wait3A_147 = tpu.memref_slice %arg2[%mul3A_2] : memref<16384xi32, #tpu.memory_space<hbm>> -> memref<512xi32, #tpu.memory_space<hbm>>
      tpu.wait_dma2 semaphore(%run_scoped3A_132 : memref<!tpu.dma_semaphore, #tpu.memory_space<semaphore_mem>>) src(%dma_wait3A_147 : memref<512xi32, #tpu.memory_space<hbm>>) dst(%dma_wait3A_146 : memref<512xi32, #tpu.memory_space<vmem>>)
      tpu.yield
    }) : () -> ()
    %run_scoped3A_3 = arith.constant 1 : i32
    "tpu.region"() ({
      %run_scoped3A_132 = tpu.sem_alloc : memref<!tpu.dma_semaphore, #tpu.memory_space<semaphore_mem>>
      %dma_start3A = arith.constant 0 : i32
      %dma_start3A_133 = tpu.memref_slice %arg7[%run_scoped3A_3, %dma_start3A] : memref<2x512xi32, #tpu.memory_space<vmem>> -> memref<1x512xi32, #tpu.memory_space<vmem>>
      %dma_start3A_134 = tpu.memref_squeeze %dma_start3A_133 : memref<1x512xi32, #tpu.memory_space<vmem>> -> memref<512xi32, #tpu.memory_space<vmem>>
      %dma_start3A_135 = tpu.memref_slice %arg3[%mul3A_2] : memref<16384xi32, #tpu.memory_space<hbm>> -> memref<512xi32, #tpu.memory_space<hbm>>
      %dma_start3A_136 = arith.constant 0 : i32
      %dma_start3A_137 = tpu.memref_slice %arg7[%run_scoped3A_3, %dma_start3A_136] : memref<2x512xi32, #tpu.memory_space<vmem>> -> memref<1x512xi32, #tpu.memory_space<vmem>>
      %dma_start3A_138 = tpu.memref_squeeze %dma_start3A_137 : memref<1x512xi32, #tpu.memory_space<vmem>> -> memref<512xi32, #tpu.memory_space<vmem>>
      %dma_start3A_139 = tpu.memref_slice %arg3[%mul3A_2] : memref<16384xi32, #tpu.memory_space<hbm>> -> memref<512xi32, #tpu.memory_space<hbm>>
      tpu.enqueue_dma source(%dma_start3A_139 : memref<512xi32, #tpu.memory_space<hbm>>) target(%dma_start3A_138 : memref<512xi32, #tpu.memory_space<vmem>>) target_semaphore(%run_scoped3A_132 : memref<!tpu.dma_semaphore, #tpu.memory_space<semaphore_mem>>)
      %dma_wait3A_140 = arith.constant 0 : i32
      %dma_wait3A_141 = tpu.memref_slice %arg7[%run_scoped3A_3, %dma_wait3A_140] : memref<2x512xi32, #tpu.memory_space<vmem>> -> memref<1x512xi32, #tpu.memory_space<vmem>>
      %dma_wait3A_142 = tpu.memref_squeeze %dma_wait3A_141 : memref<1x512xi32, #tpu.memory_space<vmem>> -> memref<512xi32, #tpu.memory_space<vmem>>
      %dma_wait3A_143 = tpu.memref_slice %arg3[%mul3A_2] : memref<16384xi32, #tpu.memory_space<hbm>> -> memref<512xi32, #tpu.memory_space<hbm>>
      %dma_wait3A_144 = arith.constant 0 : i32
      %dma_wait3A_145 = tpu.memref_slice %arg7[%run_scoped3A_3, %dma_wait3A_144] : memref<2x512xi32, #tpu.memory_space<vmem>> -> memref<1x512xi32, #tpu.memory_space<vmem>>
      %dma_wait3A_146 = tpu.memref_squeeze %dma_wait3A_145 : memref<1x512xi32, #tpu.memory_space<vmem>> -> memref<512xi32, #tpu.memory_space<vmem>>
      %dma_wait3A_147 = tpu.memref_slice %arg3[%mul3A_2] : memref<16384xi32, #tpu.memory_space<hbm>> -> memref<512xi32, #tpu.memory_space<hbm>>
      tpu.wait_dma2 semaphore(%run_scoped3A_132 : memref<!tpu.dma_semaphore, #tpu.memory_space<semaphore_mem>>) src(%dma_wait3A_147 : memref<512xi32, #tpu.memory_space<hbm>>) dst(%dma_wait3A_146 : memref<512xi32, #tpu.memory_space<vmem>>)
      tpu.yield
    }) : () -> ()
    %iota3A = tpu.iota {dimensions = array<i32: 0>} : vector<16xi32>
    %scan3A = arith.constant 0 : i32
    %scan3A_4 = arith.constant 0 : i32
    %scan3A_5 = arith.constant 32 : i32
    %scan3A_6 = arith.addi %scan3A_4, %scan3A_5 : i32
    %scan3A_7 = arith.constant 1 : i32
    scf.for %scan3A_132 = %scan3A_4 to %scan3A_6 step %scan3A_7  : i32 {
      %mul3A_133 = arith.constant 16 : i32
      %mul3A_134 = arith.muli %scan3A_132, %mul3A_133 : i32
      %get3A_135 = arith.constant 0 : i32
      %get3A_136 = arith.index_cast %get3A_135 : i32 to index
      %get3A_137 = arith.index_cast %mul3A_134 : i32 to index
      %get3A_138 = tpu.vector_load %arg7[%get3A_136, %get3A_137] {strides = array<i32>} : memref<2x512xi32, #tpu.memory_space<vmem>>, vector<16xi32>,
      %and3A = arith.constant -16 : i32
      %and3A_139 = vector.broadcast %and3A : i32 to vector<16xi32>
      %and3A_140 = arith.andi %get3A_138, %and3A_139 : vector<16xi32>
      %mul3A_141 = arith.constant 16 : i32
      %mul3A_142 = arith.muli %scan3A_132, %mul3A_141 : i32
      %swap3A_143 = arith.constant 0 : i32
      %swap3A_144 = arith.index_cast %swap3A_143 : i32 to index
      %swap3A_145 = arith.index_cast %mul3A_142 : i32 to index
      %swap3A_146 = tpu.vector_load %arg7[%swap3A_144, %swap3A_145] {strides = array<i32>} : memref<2x512xi32, #tpu.memory_space<vmem>>, vector<16xi32>,
      tpu.vector_store %arg7[%swap3A_144, %swap3A_145], %and3A_140 {strides = array<i32>} : memref<2x512xi32, #tpu.memory_space<vmem>>, vector<16xi32>,
      %and3A_147 = arith.constant 15 : i32
      %and3A_148 = vector.broadcast %and3A_147 : i32 to vector<16xi32>
      %and3A_149 = arith.andi %get3A_138, %and3A_148 : vector<16xi32>
      %mul3A_150 = arith.constant 16 : i32
      %mul3A_151 = arith.muli %scan3A_132, %mul3A_150 : i32
      %swap3A_152 = arith.constant 0 : i32
      %swap3A_153 = arith.index_cast %swap3A_152 : i32 to index
      %swap3A_154 = arith.index_cast %mul3A_151 : i32 to index
      %swap3A_155 = tpu.vector_load %arg8[%swap3A_153, %swap3A_154] {strides = array<i32>} : memref<2x512xi32, #tpu.memory_space<vmem>>, vector<16xi32>,
      tpu.vector_store %arg8[%swap3A_153, %swap3A_154], %and3A_149 {strides = array<i32>} : memref<2x512xi32, #tpu.memory_space<vmem>>, vector<16xi32>,
      %mul3A_156 = arith.constant 16 : i32
      %mul3A_157 = arith.muli %scan3A_132, %mul3A_156 : i32
      %get3A_158 = arith.constant 1 : i32
      %get3A_159 = arith.index_cast %get3A_158 : i32 to index
      %get3A_160 = arith.index_cast %mul3A_157 : i32 to index
      %get3A_161 = tpu.vector_load %arg7[%get3A_159, %get3A_160] {strides = array<i32>} : memref<2x512xi32, #tpu.memory_space<vmem>>, vector<16xi32>,
      %and3A_162 = arith.constant -16 : i32
      %and3A_163 = vector.broadcast %and3A_162 : i32 to vector<16xi32>
      %and3A_164 = arith.andi %get3A_161, %and3A_163 : vector<16xi32>
      %mul3A_165 = arith.constant 16 : i32
      %mul3A_166 = arith.muli %scan3A_132, %mul3A_165 : i32
      %swap3A_167 = arith.constant 1 : i32
      %swap3A_168 = arith.index_cast %swap3A_167 : i32 to index
      %swap3A_169 = arith.index_cast %mul3A_166 : i32 to index
      %swap3A_170 = tpu.vector_load %arg7[%swap3A_168, %swap3A_169] {strides = array<i32>} : memref<2x512xi32, #tpu.memory_space<vmem>>, vector<16xi32>,
      tpu.vector_store %arg7[%swap3A_168, %swap3A_169], %and3A_164 {strides = array<i32>} : memref<2x512xi32, #tpu.memory_space<vmem>>, vector<16xi32>,
      %and3A_171 = arith.constant 15 : i32
      %and3A_172 = vector.broadcast %and3A_171 : i32 to vector<16xi32>
      %and3A_173 = arith.andi %get3A_161, %and3A_172 : vector<16xi32>
      %mul3A_174 = arith.constant 16 : i32
      %mul3A_175 = arith.muli %scan3A_132, %mul3A_174 : i32
      %swap3A_176 = arith.constant 1 : i32
      %swap3A_177 = arith.index_cast %swap3A_176 : i32 to index
      %swap3A_178 = arith.index_cast %mul3A_175 : i32 to index
      %swap3A_179 = tpu.vector_load %arg8[%swap3A_177, %swap3A_178] {strides = array<i32>} : memref<2x512xi32, #tpu.memory_space<vmem>>, vector<16xi32>,
      tpu.vector_store %arg8[%swap3A_177, %swap3A_178], %and3A_173 {strides = array<i32>} : memref<2x512xi32, #tpu.memory_space<vmem>>, vector<16xi32>,
    }
    %scan3A_8 = arith.constant 32 : i32
    %get3A = arith.constant 0 : i32
    %get3A_9 = arith.index_cast %get3A : i32 to index
    %get3A_10 = arith.constant 0 : index
    %get3A_11 = tpu.vector_load %arg7[%get3A_9, %get3A_10] {strides = array<i32>} : memref<2x512xi32, #tpu.memory_space<vmem>>, vector<16xi32>,
    %get3A_12 = arith.constant 1 : i32
    %get3A_13 = arith.index_cast %get3A_12 : i32 to index
    %get3A_14 = arith.constant 0 : index
    %get3A_15 = tpu.vector_load %arg7[%get3A_13, %get3A_14] {strides = array<i32>} : memref<2x512xi32, #tpu.memory_space<vmem>>, vector<16xi32>,
    %scan3A_16 = arith.constant 0 : i32
    %scan3A_17 = arith.constant 0 : i32
    %scan3A_18 = arith.constant 16 : i32
    %scan3A_19 = arith.addi %scan3A_17, %scan3A_18 : i32
    %scan3A_20 = arith.constant 1 : i32
    scf.for %scan3A_132 = %scan3A_17 to %scan3A_19 step %scan3A_20  : i32 {
      %eq3A = vector.broadcast %scan3A_132 : i32 to vector<16xi32>
      %eq3A_133 = arith.cmpi eq, %iota3A, %eq3A : vector<16xi32>
      %jit3A = arith.constant 0 : i32
      %broadcast_in_dim3A_134 = vector.broadcast %jit3A : i32 to vector<16xi32>
      %select_n3A = arith.select %eq3A_133, %get3A_11, %broadcast_in_dim3A_134 : vector<16xi1>, vector<16xi32>
      %reduce_sum3A = arith.constant true
      %reduce_sum3A_135 = vector.broadcast %reduce_sum3A : i1 to vector<16xi1>
      %reduce_sum3A_136 = tpu.scan <sum>, %select_n3A masked %reduce_sum3A_135 : vector<16xi32>, vector<16xi1> -> vector<16xi32>
      %reduce_sum3A_137 = vector.extract %reduce_sum3A_136[15] : i32 from vector<16xi32>
      %multiple_of3A = tpu.assume_multiple %reduce_sum3A_137, 16 : i32
      %jit3A_138 = arith.constant 0 : i32
      %broadcast_in_dim3A_139 = vector.broadcast %jit3A_138 : i32 to vector<16xi32>
      %select_n3A_140 = arith.select %eq3A_133, %get3A_15, %broadcast_in_dim3A_139 : vector<16xi1>, vector<16xi32>
      %reduce_sum3A_141 = arith.constant true
      %reduce_sum3A_142 = vector.broadcast %reduce_sum3A_141 : i1 to vector<16xi1>
      %reduce_sum3A_143 = tpu.scan <sum>, %select_n3A_140 masked %reduce_sum3A_142 : vector<16xi32>, vector<16xi1> -> vector<16xi32>
      %reduce_sum3A_144 = vector.extract %reduce_sum3A_143[15] : i32 from vector<16xi32>
      %multiple_of3A_145 = tpu.assume_multiple %reduce_sum3A_144, 16 : i32
      %mul3A_146 = arith.constant 16 : i32
      %mul3A_147 = arith.muli %scan3A_132, %mul3A_146 : i32
      %dma_start3A = arith.constant 0 : i32
      %dma_start3A_148 = tpu.memref_slice %arg9[%dma_start3A, %mul3A_147] : memref<16x256xf32, #tpu.memory_space<vmem>> -> memref<8x16xf32, #tpu.memory_space<vmem>>
      %dma_start3A_149 = arith.constant 0 : i32
      %dma_start3A_150 = tpu.memref_slice %arg4[%dma_start3A_149, %multiple_of3A] : memref<16x1000000xf32, #tpu.memory_space<hbm>> -> memref<8x16xf32, #tpu.memory_space<hbm>>
      %dma_start3A_151 = arith.constant 0 : i32
      %dma_start3A_152 = tpu.memref_slice %arg9[%dma_start3A_151, %mul3A_147] : memref<16x256xf32, #tpu.memory_space<vmem>> -> memref<8x16xf32, #tpu.memory_space<vmem>>
      %dma_start3A_153 = arith.constant 0 : i32
      %dma_start3A_154 = tpu.memref_slice %arg4[%dma_start3A_153, %multiple_of3A] : memref<16x1000000xf32, #tpu.memory_space<hbm>> -> memref<8x16xf32, #tpu.memory_space<hbm>>
      tpu.enqueue_dma source(%dma_start3A_154 : memref<8x16xf32, #tpu.memory_space<hbm>>) target(%dma_start3A_152 : memref<8x16xf32, #tpu.memory_space<vmem>>) target_semaphore(%arg14 : memref<!tpu.dma_semaphore, #tpu.memory_space<semaphore_mem>>)
      %dma_start3A_155 = arith.constant 0 : i32
      %dma_start3A_156 = tpu.memref_slice %arg11[%dma_start3A_155, %mul3A_147] : memref<16x256xf32, #tpu.memory_space<vmem>> -> memref<8x16xf32, #tpu.memory_space<vmem>>
      %dma_start3A_157 = arith.constant 0 : i32
      %dma_start3A_158 = tpu.memref_slice %arg5[%dma_start3A_157, %multiple_of3A_145] : memref<16x1000000xf32, #tpu.memory_space<hbm>> -> memref<8x16xf32, #tpu.memory_space<hbm>>
      %dma_start3A_159 = arith.constant 0 : i32
      %dma_start3A_160 = tpu.memref_slice %arg11[%dma_start3A_159, %mul3A_147] : memref<16x256xf32, #tpu.memory_space<vmem>> -> memref<8x16xf32, #tpu.memory_space<vmem>>
      %dma_start3A_161 = arith.constant 0 : i32
      %dma_start3A_162 = tpu.memref_slice %arg5[%dma_start3A_161, %multiple_of3A_145] : memref<16x1000000xf32, #tpu.memory_space<hbm>> -> memref<8x16xf32, #tpu.memory_space<hbm>>
      tpu.enqueue_dma source(%dma_start3A_162 : memref<8x16xf32, #tpu.memory_space<hbm>>) target(%dma_start3A_160 : memref<8x16xf32, #tpu.memory_space<vmem>>) target_semaphore(%arg14 : memref<!tpu.dma_semaphore, #tpu.memory_space<semaphore_mem>>)
      %dma_start3A_163 = arith.constant 8 : i32
      %dma_start3A_164 = tpu.memref_slice %arg9[%dma_start3A_163, %mul3A_147] : memref<16x256xf32, #tpu.memory_space<vmem>> -> memref<8x16xf32, #tpu.memory_space<vmem>>
      %dma_start3A_165 = arith.constant 8 : i32
      %dma_start3A_166 = tpu.memref_slice %arg4[%dma_start3A_165, %multiple_of3A] : memref<16x1000000xf32, #tpu.memory_space<hbm>> -> memref<8x16xf32, #tpu.memory_space<hbm>>
      %dma_start3A_167 = arith.constant 8 : i32
      %dma_start3A_168 = tpu.memref_slice %arg9[%dma_start3A_167, %mul3A_147] : memref<16x256xf32, #tpu.memory_space<vmem>> -> memref<8x16xf32, #tpu.memory_space<vmem>>
      %dma_start3A_169 = arith.constant 8 : i32
      %dma_start3A_170 = tpu.memref_slice %arg4[%dma_start3A_169, %multiple_of3A] : memref<16x1000000xf32, #tpu.memory_space<hbm>> -> memref<8x16xf32, #tpu.memory_space<hbm>>
      tpu.enqueue_dma source(%dma_start3A_170 : memref<8x16xf32, #tpu.memory_space<hbm>>) target(%dma_start3A_168 : memref<8x16xf32, #tpu.memory_space<vmem>>) target_semaphore(%arg14 : memref<!tpu.dma_semaphore, #tpu.memory_space<semaphore_mem>>)
      %dma_start3A_171 = arith.constant 8 : i32
      %dma_start3A_172 = tpu.memref_slice %arg11[%dma_start3A_171, %mul3A_147] : memref<16x256xf32, #tpu.memory_space<vmem>> -> memref<8x16xf32, #tpu.memory_space<vmem>>
      %dma_start3A_173 = arith.constant 8 : i32
      %dma_start3A_174 = tpu.memref_slice %arg5[%dma_start3A_173, %multiple_of3A_145] : memref<16x1000000xf32, #tpu.memory_space<hbm>> -> memref<8x16xf32, #tpu.memory_space<hbm>>
      %dma_start3A_175 = arith.constant 8 : i32
      %dma_start3A_176 = tpu.memref_slice %arg11[%dma_start3A_175, %mul3A_147] : memref<16x256xf32, #tpu.memory_space<vmem>> -> memref<8x16xf32, #tpu.memory_space<vmem>>
      %dma_start3A_177 = arith.constant 8 : i32
      %dma_start3A_178 = tpu.memref_slice %arg5[%dma_start3A_177, %multiple_of3A_145] : memref<16x1000000xf32, #tpu.memory_space<hbm>> -> memref<8x16xf32, #tpu.memory_space<hbm>>
      tpu.enqueue_dma source(%dma_start3A_178 : memref<8x16xf32, #tpu.memory_space<hbm>>) target(%dma_start3A_176 : memref<8x16xf32, #tpu.memory_space<vmem>>) target_semaphore(%arg14 : memref<!tpu.dma_semaphore, #tpu.memory_space<semaphore_mem>>)
    }
    %scan3A_21 = arith.constant 16 : i32
    %scan3A_22 = arith.constant 0 : i32
    %scan3A_23 = arith.constant 0 : i32
    %scan3A_24 = arith.constant 15 : i32
    %scan3A_25 = arith.addi %scan3A_23, %scan3A_24 : i32
    %scan3A_26 = arith.constant 1 : i32
    scf.for %scan3A_132 = %scan3A_23 to %scan3A_25 step %scan3A_26  : i32 {
      %mul3A_133 = arith.constant 2 : i32
      %mul3A_134 = arith.muli %mul3A_133, %scan3A_132 : i32
      %add3A_135 = arith.constant 1 : i32
      %add3A_136 = arith.addi %mul3A_134, %add3A_135 : i32
      %mul3A_137 = arith.constant 16 : i32
      %mul3A_138 = arith.muli %add3A_136, %mul3A_137 : i32
      %get3A_139 = arith.constant 0 : i32
      %get3A_140 = arith.index_cast %get3A_139 : i32 to index
      %get3A_141 = arith.index_cast %mul3A_138 : i32 to index
      %get3A_142 = tpu.vector_load %arg7[%get3A_140, %get3A_141] {strides = array<i32>} : memref<2x512xi32, #tpu.memory_space<vmem>>, vector<16xi32>,
      %mul3A_143 = arith.constant 16 : i32
      %mul3A_144 = arith.muli %add3A_136, %mul3A_143 : i32
      %get3A_145 = arith.constant 1 : i32
      %get3A_146 = arith.index_cast %get3A_145 : i32 to index
      %get3A_147 = arith.index_cast %mul3A_144 : i32 to index
      %get3A_148 = tpu.vector_load %arg7[%get3A_146, %get3A_147] {strides = array<i32>} : memref<2x512xi32, #tpu.memory_space<vmem>>, vector<16xi32>,
      %scan3A_149 = arith.constant 0 : i32
      %scan3A_150 = arith.constant 0 : i32
      %scan3A_151 = arith.constant 16 : i32
      %scan3A_152 = arith.addi %scan3A_150, %scan3A_151 : i32
      %scan3A_153 = arith.constant 1 : i32
      scf.for %scan3A_285 = %scan3A_150 to %scan3A_152 step %scan3A_153  : i32 {
        %eq3A = vector.broadcast %scan3A_285 : i32 to vector<16xi32>
        %eq3A_286 = arith.cmpi eq, %iota3A, %eq3A : vector<16xi32>
        %jit3A = arith.constant 0 : i32
        %broadcast_in_dim3A_287 = vector.broadcast %jit3A : i32 to vector<16xi32>
        %select_n3A = arith.select %eq3A_286, %get3A_142, %broadcast_in_dim3A_287 : vector<16xi1>, vector<16xi32>
        %reduce_sum3A = arith.constant true
        %reduce_sum3A_288 = vector.broadcast %reduce_sum3A : i1 to vector<16xi1>
        %reduce_sum3A_289 = tpu.scan <sum>, %select_n3A masked %reduce_sum3A_288 : vector<16xi32>, vector<16xi1> -> vector<16xi32>
        %reduce_sum3A_290 = vector.extract %reduce_sum3A_289[15] : i32 from vector<16xi32>
        %multiple_of3A = tpu.assume_multiple %reduce_sum3A_290, 16 : i32
        %jit3A_291 = arith.constant 0 : i32
        %broadcast_in_dim3A_292 = vector.broadcast %jit3A_291 : i32 to vector<16xi32>
        %select_n3A_293 = arith.select %eq3A_286, %get3A_148, %broadcast_in_dim3A_292 : vector<16xi1>, vector<16xi32>
        %reduce_sum3A_294 = arith.constant true
        %reduce_sum3A_295 = vector.broadcast %reduce_sum3A_294 : i1 to vector<16xi1>
        %reduce_sum3A_296 = tpu.scan <sum>, %select_n3A_293 masked %reduce_sum3A_295 : vector<16xi32>, vector<16xi1> -> vector<16xi32>
        %reduce_sum3A_297 = vector.extract %reduce_sum3A_296[15] : i32 from vector<16xi32>
        %multiple_of3A_298 = tpu.assume_multiple %reduce_sum3A_297, 16 : i32
        %mul3A_299 = arith.constant 16 : i32
        %mul3A_300 = arith.muli %scan3A_285, %mul3A_299 : i32
        %dma_start3A = arith.constant 0 : i32
        %dma_start3A_301 = tpu.memref_slice %arg10[%dma_start3A, %mul3A_300] : memref<16x256xf32, #tpu.memory_space<vmem>> -> memref<8x16xf32, #tpu.memory_space<vmem>>
        %dma_start3A_302 = arith.constant 0 : i32
        %dma_start3A_303 = tpu.memref_slice %arg4[%dma_start3A_302, %multiple_of3A] : memref<16x1000000xf32, #tpu.memory_space<hbm>> -> memref<8x16xf32, #tpu.memory_space<hbm>>
        %dma_start3A_304 = arith.constant 0 : i32
        %dma_start3A_305 = tpu.memref_slice %arg10[%dma_start3A_304, %mul3A_300] : memref<16x256xf32, #tpu.memory_space<vmem>> -> memref<8x16xf32, #tpu.memory_space<vmem>>
        %dma_start3A_306 = arith.constant 0 : i32
        %dma_start3A_307 = tpu.memref_slice %arg4[%dma_start3A_306, %multiple_of3A] : memref<16x1000000xf32, #tpu.memory_space<hbm>> -> memref<8x16xf32, #tpu.memory_space<hbm>>
        tpu.enqueue_dma source(%dma_start3A_307 : memref<8x16xf32, #tpu.memory_space<hbm>>) target(%dma_start3A_305 : memref<8x16xf32, #tpu.memory_space<vmem>>) target_semaphore(%arg15 : memref<!tpu.dma_semaphore, #tpu.memory_space<semaphore_mem>>)
        %dma_start3A_308 = arith.constant 0 : i32
        %dma_start3A_309 = tpu.memref_slice %arg12[%dma_start3A_308, %mul3A_300] : memref<16x256xf32, #tpu.memory_space<vmem>> -> memref<8x16xf32, #tpu.memory_space<vmem>>
        %dma_start3A_310 = arith.constant 0 : i32
        %dma_start3A_311 = tpu.memref_slice %arg5[%dma_start3A_310, %multiple_of3A_298] : memref<16x1000000xf32, #tpu.memory_space<hbm>> -> memref<8x16xf32, #tpu.memory_space<hbm>>
        %dma_start3A_312 = arith.constant 0 : i32
        %dma_start3A_313 = tpu.memref_slice %arg12[%dma_start3A_312, %mul3A_300] : memref<16x256xf32, #tpu.memory_space<vmem>> -> memref<8x16xf32, #tpu.memory_space<vmem>>
        %dma_start3A_314 = arith.constant 0 : i32
        %dma_start3A_315 = tpu.memref_slice %arg5[%dma_start3A_314, %multiple_of3A_298] : memref<16x1000000xf32, #tpu.memory_space<hbm>> -> memref<8x16xf32, #tpu.memory_space<hbm>>
        tpu.enqueue_dma source(%dma_start3A_315 : memref<8x16xf32, #tpu.memory_space<hbm>>) target(%dma_start3A_313 : memref<8x16xf32, #tpu.memory_space<vmem>>) target_semaphore(%arg15 : memref<!tpu.dma_semaphore, #tpu.memory_space<semaphore_mem>>)
        %dma_start3A_316 = arith.constant 8 : i32
        %dma_start3A_317 = tpu.memref_slice %arg10[%dma_start3A_316, %mul3A_300] : memref<16x256xf32, #tpu.memory_space<vmem>> -> memref<8x16xf32, #tpu.memory_space<vmem>>
        %dma_start3A_318 = arith.constant 8 : i32
        %dma_start3A_319 = tpu.memref_slice %arg4[%dma_start3A_318, %multiple_of3A] : memref<16x1000000xf32, #tpu.memory_space<hbm>> -> memref<8x16xf32, #tpu.memory_space<hbm>>
        %dma_start3A_320 = arith.constant 8 : i32
        %dma_start3A_321 = tpu.memref_slice %arg10[%dma_start3A_320, %mul3A_300] : memref<16x256xf32, #tpu.memory_space<vmem>> -> memref<8x16xf32, #tpu.memory_space<vmem>>
        %dma_start3A_322 = arith.constant 8 : i32
        %dma_start3A_323 = tpu.memref_slice %arg4[%dma_start3A_322, %multiple_of3A] : memref<16x1000000xf32, #tpu.memory_space<hbm>> -> memref<8x16xf32, #tpu.memory_space<hbm>>
        tpu.enqueue_dma source(%dma_start3A_323 : memref<8x16xf32, #tpu.memory_space<hbm>>) target(%dma_start3A_321 : memref<8x16xf32, #tpu.memory_space<vmem>>) target_semaphore(%arg15 : memref<!tpu.dma_semaphore, #tpu.memory_space<semaphore_mem>>)
        %dma_start3A_324 = arith.constant 8 : i32
        %dma_start3A_325 = tpu.memref_slice %arg12[%dma_start3A_324, %mul3A_300] : memref<16x256xf32, #tpu.memory_space<vmem>> -> memref<8x16xf32, #tpu.memory_space<vmem>>
        %dma_start3A_326 = arith.constant 8 : i32
        %dma_start3A_327 = tpu.memref_slice %arg5[%dma_start3A_326, %multiple_of3A_298] : memref<16x1000000xf32, #tpu.memory_space<hbm>> -> memref<8x16xf32, #tpu.memory_space<hbm>>
        %dma_start3A_328 = arith.constant 8 : i32
        %dma_start3A_329 = tpu.memref_slice %arg12[%dma_start3A_328, %mul3A_300] : memref<16x256xf32, #tpu.memory_space<vmem>> -> memref<8x16xf32, #tpu.memory_space<vmem>>
        %dma_start3A_330 = arith.constant 8 : i32
        %dma_start3A_331 = tpu.memref_slice %arg5[%dma_start3A_330, %multiple_of3A_298] : memref<16x1000000xf32, #tpu.memory_space<hbm>> -> memref<8x16xf32, #tpu.memory_space<hbm>>
        tpu.enqueue_dma source(%dma_start3A_331 : memref<8x16xf32, #tpu.memory_space<hbm>>) target(%dma_start3A_329 : memref<8x16xf32, #tpu.memory_space<vmem>>) target_semaphore(%arg15 : memref<!tpu.dma_semaphore, #tpu.memory_space<semaphore_mem>>)
      }
      %scan3A_154 = arith.constant 16 : i32
      %dma_wait3A_155 = arith.constant 0 : i32
      %dma_wait3A_156 = arith.constant 0 : i32
      %dma_wait3A_157 = tpu.memref_slice %arg4[%dma_wait3A_155, %dma_wait3A_156] : memref<16x1000000xf32, #tpu.memory_space<hbm>> -> memref<16x256xf32, #tpu.memory_space<hbm>>
      %dma_wait3A_158 = arith.constant 0 : i32
      %dma_wait3A_159 = arith.constant 0 : i32
      %dma_wait3A_160 = tpu.memref_slice %arg4[%dma_wait3A_158, %dma_wait3A_159] : memref<16x1000000xf32, #tpu.memory_space<hbm>> -> memref<16x256xf32, #tpu.memory_space<hbm>>
      tpu.wait_dma2 semaphore(%arg14 : memref<!tpu.dma_semaphore, #tpu.memory_space<semaphore_mem>>) src(%dma_wait3A_160 : memref<16x256xf32, #tpu.memory_space<hbm>>) dst(%arg9 : memref<16x256xf32, #tpu.memory_space<vmem>>)
      %dma_wait3A_161 = arith.constant 0 : i32
      %dma_wait3A_162 = arith.constant 0 : i32
      %dma_wait3A_163 = tpu.memref_slice %arg5[%dma_wait3A_161, %dma_wait3A_162] : memref<16x1000000xf32, #tpu.memory_space<hbm>> -> memref<16x256xf32, #tpu.memory_space<hbm>>
      %dma_wait3A_164 = arith.constant 0 : i32
      %dma_wait3A_165 = arith.constant 0 : i32
      %dma_wait3A_166 = tpu.memref_slice %arg5[%dma_wait3A_164, %dma_wait3A_165] : memref<16x1000000xf32, #tpu.memory_space<hbm>> -> memref<16x256xf32, #tpu.memory_space<hbm>>
      tpu.wait_dma2 semaphore(%arg14 : memref<!tpu.dma_semaphore, #tpu.memory_space<semaphore_mem>>) src(%dma_wait3A_166 : memref<16x256xf32, #tpu.memory_space<hbm>>) dst(%arg11 : memref<16x256xf32, #tpu.memory_space<vmem>>)
      %mul3A_167 = arith.constant 16 : i32
      %mul3A_168 = vector.broadcast %mul3A_167 : i32 to vector<16xi32>
      %mul3A_169 = arith.muli %iota3A, %mul3A_168 : vector<16xi32>
      %mul3A_170 = arith.constant 16 : i32
      %mul3A_171 = arith.muli %mul3A_134, %mul3A_170 : i32
      %get3A_172 = arith.constant 0 : i32
      %get3A_173 = arith.index_cast %get3A_172 : i32 to index
      %get3A_174 = arith.index_cast %mul3A_171 : i32 to index
      %get3A_175 = tpu.vector_load %arg8[%get3A_173, %get3A_174] {strides = array<i32>} : memref<2x512xi32, #tpu.memory_space<vmem>>, vector<16xi32>,
      %add3A_176 = arith.addi %mul3A_169, %get3A_175 : vector<16xi32>
      %mul3A_177 = arith.constant 16 : i32
      %mul3A_178 = vector.broadcast %mul3A_177 : i32 to vector<16xi32>
      %mul3A_179 = arith.muli %iota3A, %mul3A_178 : vector<16xi32>
      %mul3A_180 = arith.constant 16 : i32
      %mul3A_181 = arith.muli %mul3A_134, %mul3A_180 : i32
      %get3A_182 = arith.constant 1 : i32
      %get3A_183 = arith.index_cast %get3A_182 : i32 to index
      %get3A_184 = arith.index_cast %mul3A_181 : i32 to index
      %get3A_185 = tpu.vector_load %arg8[%get3A_183, %get3A_184] {strides = array<i32>} : memref<2x512xi32, #tpu.memory_space<vmem>>, vector<16xi32>,
      %add3A_186 = arith.addi %mul3A_179, %get3A_185 : vector<16xi32>
      %broadcast_in_dim3A_187 = arith.constant 0.000000e+00 : f32
      %broadcast_in_dim3A_188 = vector.broadcast %broadcast_in_dim3A_187 : f32 to vector<16xf32>
      %scan3A_189 = arith.constant 0 : i32
      %scan3A_190 = arith.constant 16 : i32
      %scan3A_191 = arith.addi %scan3A_189, %scan3A_190 : i32
      %scan3A_192 = arith.constant 1 : i32
      %scan3A_193 = scf.for %scan3A_285 = %scan3A_189 to %scan3A_191 step %scan3A_192 iter_args(%scan3A_286 = %broadcast_in_dim3A_188) -> (vector<16xf32>)  : i32 {
        %broadcast_in_dim3A_287 = vector.broadcast %scan3A_285 : i32 to vector<16xi32>
        %gather3A = tpu.vector_load_idx %arg9[%broadcast_in_dim3A_287, %add3A_176] : memref<16x256xf32, #tpu.memory_space<vmem>>[vector<16xi32>, vector<16xi32>], vector<16xf32>,
        %gather3A_288 = tpu.vector_load_idx %arg11[%broadcast_in_dim3A_287, %add3A_186] : memref<16x256xf32, #tpu.memory_space<vmem>>[vector<16xi32>, vector<16xi32>], vector<16xf32>,
        %mul3A_289 = arith.mulf %gather3A, %gather3A_288 : vector<16xf32>
        %add3A_290 = arith.addf %scan3A_286, %mul3A_289 : vector<16xf32>
        scf.yield %add3A_290 : vector<16xf32>
      }
      %scan3A_194 = arith.constant 16 : i32
      %neg3A_195 = arith.constant 0.000000e+00 : f32
      %neg3A_196 = vector.broadcast %neg3A_195 : f32 to vector<16xf32>
      %neg3A_197 = arith.subf %neg3A_196, %scan3A_193 : vector<16xf32>
      %exp3A_198 = math.exp %neg3A_197 : vector<16xf32>
      %add3A_199 = arith.constant 1.000000e+00 : f32
      %add3A_200 = vector.broadcast %add3A_199 : f32 to vector<16xf32>
      %add3A_201 = arith.addf %add3A_200, %exp3A_198 : vector<16xf32>
      %div3A_202 = arith.constant 1.000000e+00 : f32
      %div3A_203 = vector.broadcast %div3A_202 : f32 to vector<16xf32>
      %div3A_204 = arith.divf %div3A_203, %add3A_201 : vector<16xf32>
      %mul3A_205 = arith.constant 16 : i32
      %mul3A_206 = arith.muli %mul3A_134, %mul3A_205 : i32
      %swap3A_207 = arith.index_cast %mul3A_206 : i32 to index
      %swap3A_208 = tpu.vector_load %arg13[%swap3A_207] {strides = array<i32>} : memref<512xf32, #tpu.memory_space<vmem>>, vector<16xf32>,
      tpu.vector_store %arg13[%swap3A_207], %div3A_204 {strides = array<i32>} : memref<512xf32, #tpu.memory_space<vmem>>, vector<16xf32>,
      %add3A_209 = arith.constant 2 : i32
      %add3A_210 = arith.addi %mul3A_134, %add3A_209 : i32
      %mul3A_211 = arith.constant 16 : i32
      %mul3A_212 = arith.muli %add3A_210, %mul3A_211 : i32
      %get3A_213 = arith.constant 0 : i32
      %get3A_214 = arith.index_cast %get3A_213 : i32 to index
      %get3A_215 = arith.index_cast %mul3A_212 : i32 to index
      %get3A_216 = tpu.vector_load %arg7[%get3A_214, %get3A_215] {strides = array<i32>} : memref<2x512xi32, #tpu.memory_space<vmem>>, vector<16xi32>,
      %mul3A_217 = arith.constant 16 : i32
      %mul3A_218 = arith.muli %add3A_210, %mul3A_217 : i32
      %get3A_219 = arith.constant 1 : i32
      %get3A_220 = arith.index_cast %get3A_219 : i32 to index
      %get3A_221 = arith.index_cast %mul3A_218 : i32 to index
      %get3A_222 = tpu.vector_load %arg7[%get3A_220, %get3A_221] {strides = array<i32>} : memref<2x512xi32, #tpu.memory_space<vmem>>, vector<16xi32>,
      %scan3A_223 = arith.constant 0 : i32
      %scan3A_224 = arith.constant 0 : i32
      %scan3A_225 = arith.constant 16 : i32
      %scan3A_226 = arith.addi %scan3A_224, %scan3A_225 : i32
      %scan3A_227 = arith.constant 1 : i32
      scf.for %scan3A_285 = %scan3A_224 to %scan3A_226 step %scan3A_227  : i32 {
        %eq3A = vector.broadcast %scan3A_285 : i32 to vector<16xi32>
        %eq3A_286 = arith.cmpi eq, %iota3A, %eq3A : vector<16xi32>
        %jit3A = arith.constant 0 : i32
        %broadcast_in_dim3A_287 = vector.broadcast %jit3A : i32 to vector<16xi32>
        %select_n3A = arith.select %eq3A_286, %get3A_216, %broadcast_in_dim3A_287 : vector<16xi1>, vector<16xi32>
        %reduce_sum3A = arith.constant true
        %reduce_sum3A_288 = vector.broadcast %reduce_sum3A : i1 to vector<16xi1>
        %reduce_sum3A_289 = tpu.scan <sum>, %select_n3A masked %reduce_sum3A_288 : vector<16xi32>, vector<16xi1> -> vector<16xi32>
        %reduce_sum3A_290 = vector.extract %reduce_sum3A_289[15] : i32 from vector<16xi32>
        %multiple_of3A = tpu.assume_multiple %reduce_sum3A_290, 16 : i32
        %jit3A_291 = arith.constant 0 : i32
        %broadcast_in_dim3A_292 = vector.broadcast %jit3A_291 : i32 to vector<16xi32>
        %select_n3A_293 = arith.select %eq3A_286, %get3A_222, %broadcast_in_dim3A_292 : vector<16xi1>, vector<16xi32>
        %reduce_sum3A_294 = arith.constant true
        %reduce_sum3A_295 = vector.broadcast %reduce_sum3A_294 : i1 to vector<16xi1>
        %reduce_sum3A_296 = tpu.scan <sum>, %select_n3A_293 masked %reduce_sum3A_295 : vector<16xi32>, vector<16xi1> -> vector<16xi32>
        %reduce_sum3A_297 = vector.extract %reduce_sum3A_296[15] : i32 from vector<16xi32>
        %multiple_of3A_298 = tpu.assume_multiple %reduce_sum3A_297, 16 : i32
        %mul3A_299 = arith.constant 16 : i32
        %mul3A_300 = arith.muli %scan3A_285, %mul3A_299 : i32
        %dma_start3A = arith.constant 0 : i32
        %dma_start3A_301 = tpu.memref_slice %arg9[%dma_start3A, %mul3A_300] : memref<16x256xf32, #tpu.memory_space<vmem>> -> memref<8x16xf32, #tpu.memory_space<vmem>>
        %dma_start3A_302 = arith.constant 0 : i32
        %dma_start3A_303 = tpu.memref_slice %arg4[%dma_start3A_302, %multiple_of3A] : memref<16x1000000xf32, #tpu.memory_space<hbm>> -> memref<8x16xf32, #tpu.memory_space<hbm>>
        %dma_start3A_304 = arith.constant 0 : i32
        %dma_start3A_305 = tpu.memref_slice %arg9[%dma_start3A_304, %mul3A_300] : memref<16x256xf32, #tpu.memory_space<vmem>> -> memref<8x16xf32, #tpu.memory_space<vmem>>
        %dma_start3A_306 = arith.constant 0 : i32
        %dma_start3A_307 = tpu.memref_slice %arg4[%dma_start3A_306, %multiple_of3A] : memref<16x1000000xf32, #tpu.memory_space<hbm>> -> memref<8x16xf32, #tpu.memory_space<hbm>>
        tpu.enqueue_dma source(%dma_start3A_307 : memref<8x16xf32, #tpu.memory_space<hbm>>) target(%dma_start3A_305 : memref<8x16xf32, #tpu.memory_space<vmem>>) target_semaphore(%arg14 : memref<!tpu.dma_semaphore, #tpu.memory_space<semaphore_mem>>)
        %dma_start3A_308 = arith.constant 0 : i32
        %dma_start3A_309 = tpu.memref_slice %arg11[%dma_start3A_308, %mul3A_300] : memref<16x256xf32, #tpu.memory_space<vmem>> -> memref<8x16xf32, #tpu.memory_space<vmem>>
        %dma_start3A_310 = arith.constant 0 : i32
        %dma_start3A_311 = tpu.memref_slice %arg5[%dma_start3A_310, %multiple_of3A_298] : memref<16x1000000xf32, #tpu.memory_space<hbm>> -> memref<8x16xf32, #tpu.memory_space<hbm>>
        %dma_start3A_312 = arith.constant 0 : i32
        %dma_start3A_313 = tpu.memref_slice %arg11[%dma_start3A_312, %mul3A_300] : memref<16x256xf32, #tpu.memory_space<vmem>> -> memref<8x16xf32, #tpu.memory_space<vmem>>
        %dma_start3A_314 = arith.constant 0 : i32
        %dma_start3A_315 = tpu.memref_slice %arg5[%dma_start3A_314, %multiple_of3A_298] : memref<16x1000000xf32, #tpu.memory_space<hbm>> -> memref<8x16xf32, #tpu.memory_space<hbm>>
        tpu.enqueue_dma source(%dma_start3A_315 : memref<8x16xf32, #tpu.memory_space<hbm>>) target(%dma_start3A_313 : memref<8x16xf32, #tpu.memory_space<vmem>>) target_semaphore(%arg14 : memref<!tpu.dma_semaphore, #tpu.memory_space<semaphore_mem>>)
        %dma_start3A_316 = arith.constant 8 : i32
        %dma_start3A_317 = tpu.memref_slice %arg9[%dma_start3A_316, %mul3A_300] : memref<16x256xf32, #tpu.memory_space<vmem>> -> memref<8x16xf32, #tpu.memory_space<vmem>>
        %dma_start3A_318 = arith.constant 8 : i32
        %dma_start3A_319 = tpu.memref_slice %arg4[%dma_start3A_318, %multiple_of3A] : memref<16x1000000xf32, #tpu.memory_space<hbm>> -> memref<8x16xf32, #tpu.memory_space<hbm>>
        %dma_start3A_320 = arith.constant 8 : i32
        %dma_start3A_321 = tpu.memref_slice %arg9[%dma_start3A_320, %mul3A_300] : memref<16x256xf32, #tpu.memory_space<vmem>> -> memref<8x16xf32, #tpu.memory_space<vmem>>
        %dma_start3A_322 = arith.constant 8 : i32
        %dma_start3A_323 = tpu.memref_slice %arg4[%dma_start3A_322, %multiple_of3A] : memref<16x1000000xf32, #tpu.memory_space<hbm>> -> memref<8x16xf32, #tpu.memory_space<hbm>>
        tpu.enqueue_dma source(%dma_start3A_323 : memref<8x16xf32, #tpu.memory_space<hbm>>) target(%dma_start3A_321 : memref<8x16xf32, #tpu.memory_space<vmem>>) target_semaphore(%arg14 : memref<!tpu.dma_semaphore, #tpu.memory_space<semaphore_mem>>)
        %dma_start3A_324 = arith.constant 8 : i32
        %dma_start3A_325 = tpu.memref_slice %arg11[%dma_start3A_324, %mul3A_300] : memref<16x256xf32, #tpu.memory_space<vmem>> -> memref<8x16xf32, #tpu.memory_space<vmem>>
        %dma_start3A_326 = arith.constant 8 : i32
        %dma_start3A_327 = tpu.memref_slice %arg5[%dma_start3A_326, %multiple_of3A_298] : memref<16x1000000xf32, #tpu.memory_space<hbm>> -> memref<8x16xf32, #tpu.memory_space<hbm>>
        %dma_start3A_328 = arith.constant 8 : i32
        %dma_start3A_329 = tpu.memref_slice %arg11[%dma_start3A_328, %mul3A_300] : memref<16x256xf32, #tpu.memory_space<vmem>> -> memref<8x16xf32, #tpu.memory_space<vmem>>
        %dma_start3A_330 = arith.constant 8 : i32
        %dma_start3A_331 = tpu.memref_slice %arg5[%dma_start3A_330, %multiple_of3A_298] : memref<16x1000000xf32, #tpu.memory_space<hbm>> -> memref<8x16xf32, #tpu.memory_space<hbm>>
        tpu.enqueue_dma source(%dma_start3A_331 : memref<8x16xf32, #tpu.memory_space<hbm>>) target(%dma_start3A_329 : memref<8x16xf32, #tpu.memory_space<vmem>>) target_semaphore(%arg14 : memref<!tpu.dma_semaphore, #tpu.memory_space<semaphore_mem>>)
      }
      %scan3A_228 = arith.constant 16 : i32
      %dma_wait3A_229 = arith.constant 0 : i32
      %dma_wait3A_230 = arith.constant 0 : i32
      %dma_wait3A_231 = tpu.memref_slice %arg4[%dma_wait3A_229, %dma_wait3A_230] : memref<16x1000000xf32, #tpu.memory_space<hbm>> -> memref<16x256xf32, #tpu.memory_space<hbm>>
      %dma_wait3A_232 = arith.constant 0 : i32
      %dma_wait3A_233 = arith.constant 0 : i32
      %dma_wait3A_234 = tpu.memref_slice %arg4[%dma_wait3A_232, %dma_wait3A_233] : memref<16x1000000xf32, #tpu.memory_space<hbm>> -> memref<16x256xf32, #tpu.memory_space<hbm>>
      tpu.wait_dma2 semaphore(%arg15 : memref<!tpu.dma_semaphore, #tpu.memory_space<semaphore_mem>>) src(%dma_wait3A_234 : memref<16x256xf32, #tpu.memory_space<hbm>>) dst(%arg10 : memref<16x256xf32, #tpu.memory_space<vmem>>)
      %dma_wait3A_235 = arith.constant 0 : i32
      %dma_wait3A_236 = arith.constant 0 : i32
      %dma_wait3A_237 = tpu.memref_slice %arg5[%dma_wait3A_235, %dma_wait3A_236] : memref<16x1000000xf32, #tpu.memory_space<hbm>> -> memref<16x256xf32, #tpu.memory_space<hbm>>
      %dma_wait3A_238 = arith.constant 0 : i32
      %dma_wait3A_239 = arith.constant 0 : i32
      %dma_wait3A_240 = tpu.memref_slice %arg5[%dma_wait3A_238, %dma_wait3A_239] : memref<16x1000000xf32, #tpu.memory_space<hbm>> -> memref<16x256xf32, #tpu.memory_space<hbm>>
      tpu.wait_dma2 semaphore(%arg15 : memref<!tpu.dma_semaphore, #tpu.memory_space<semaphore_mem>>) src(%dma_wait3A_240 : memref<16x256xf32, #tpu.memory_space<hbm>>) dst(%arg12 : memref<16x256xf32, #tpu.memory_space<vmem>>)
      %add3A_241 = arith.constant 1 : i32
      %add3A_242 = arith.addi %mul3A_134, %add3A_241 : i32
      %mul3A_243 = arith.constant 16 : i32
      %mul3A_244 = vector.broadcast %mul3A_243 : i32 to vector<16xi32>
      %mul3A_245 = arith.muli %iota3A, %mul3A_244 : vector<16xi32>
      %mul3A_246 = arith.constant 16 : i32
      %mul3A_247 = arith.muli %add3A_242, %mul3A_246 : i32
      %get3A_248 = arith.constant 0 : i32
      %get3A_249 = arith.index_cast %get3A_248 : i32 to index
      %get3A_250 = arith.index_cast %mul3A_247 : i32 to index
      %get3A_251 = tpu.vector_load %arg8[%get3A_249, %get3A_250] {strides = array<i32>} : memref<2x512xi32, #tpu.memory_space<vmem>>, vector<16xi32>,
      %add3A_252 = arith.addi %mul3A_245, %get3A_251 : vector<16xi32>
      %mul3A_253 = arith.constant 16 : i32
      %mul3A_254 = vector.broadcast %mul3A_253 : i32 to vector<16xi32>
      %mul3A_255 = arith.muli %iota3A, %mul3A_254 : vector<16xi32>
      %mul3A_256 = arith.constant 16 : i32
      %mul3A_257 = arith.muli %add3A_242, %mul3A_256 : i32
      %get3A_258 = arith.constant 1 : i32
      %get3A_259 = arith.index_cast %get3A_258 : i32 to index
      %get3A_260 = arith.index_cast %mul3A_257 : i32 to index
      %get3A_261 = tpu.vector_load %arg8[%get3A_259, %get3A_260] {strides = array<i32>} : memref<2x512xi32, #tpu.memory_space<vmem>>, vector<16xi32>,
      %add3A_262 = arith.addi %mul3A_255, %get3A_261 : vector<16xi32>
      %broadcast_in_dim3A_263 = arith.constant 0.000000e+00 : f32
      %broadcast_in_dim3A_264 = vector.broadcast %broadcast_in_dim3A_263 : f32 to vector<16xf32>
      %scan3A_265 = arith.constant 0 : i32
      %scan3A_266 = arith.constant 16 : i32
      %scan3A_267 = arith.addi %scan3A_265, %scan3A_266 : i32
      %scan3A_268 = arith.constant 1 : i32
      %scan3A_269 = scf.for %scan3A_285 = %scan3A_265 to %scan3A_267 step %scan3A_268 iter_args(%scan3A_286 = %broadcast_in_dim3A_264) -> (vector<16xf32>)  : i32 {
        %broadcast_in_dim3A_287 = vector.broadcast %scan3A_285 : i32 to vector<16xi32>
        %gather3A = tpu.vector_load_idx %arg10[%broadcast_in_dim3A_287, %add3A_252] : memref<16x256xf32, #tpu.memory_space<vmem>>[vector<16xi32>, vector<16xi32>], vector<16xf32>,
        %gather3A_288 = tpu.vector_load_idx %arg12[%broadcast_in_dim3A_287, %add3A_262] : memref<16x256xf32, #tpu.memory_space<vmem>>[vector<16xi32>, vector<16xi32>], vector<16xf32>,
        %mul3A_289 = arith.mulf %gather3A, %gather3A_288 : vector<16xf32>
        %add3A_290 = arith.addf %scan3A_286, %mul3A_289 : vector<16xf32>
        scf.yield %add3A_290 : vector<16xf32>
      }
      %scan3A_270 = arith.constant 16 : i32
      %neg3A_271 = arith.constant 0.000000e+00 : f32
      %neg3A_272 = vector.broadcast %neg3A_271 : f32 to vector<16xf32>
      %neg3A_273 = arith.subf %neg3A_272, %scan3A_269 : vector<16xf32>
      %exp3A_274 = math.exp %neg3A_273 : vector<16xf32>
      %add3A_275 = arith.constant 1.000000e+00 : f32
      %add3A_276 = vector.broadcast %add3A_275 : f32 to vector<16xf32>
      %add3A_277 = arith.addf %add3A_276, %exp3A_274 : vector<16xf32>
      %div3A_278 = arith.constant 1.000000e+00 : f32
      %div3A_279 = vector.broadcast %div3A_278 : f32 to vector<16xf32>
      %div3A_280 = arith.divf %div3A_279, %add3A_277 : vector<16xf32>
      %mul3A_281 = arith.constant 16 : i32
      %mul3A_282 = arith.muli %add3A_242, %mul3A_281 : i32
      %swap3A_283 = arith.index_cast %mul3A_282 : i32 to index
      %swap3A_284 = tpu.vector_load %arg13[%swap3A_283] {strides = array<i32>} : memref<512xf32, #tpu.memory_space<vmem>>, vector<16xf32>,
      tpu.vector_store %arg13[%swap3A_283], %div3A_280 {strides = array<i32>} : memref<512xf32, #tpu.memory_space<vmem>>, vector<16xf32>,
    }
    %scan3A_27 = arith.constant 15 : i32
    %get3A_28 = arith.constant 0 : i32
    %get3A_29 = arith.index_cast %get3A_28 : i32 to index
    %get3A_30 = arith.constant 496 : index
    %get3A_31 = tpu.vector_load %arg7[%get3A_29, %get3A_30] {strides = array<i32>} : memref<2x512xi32, #tpu.memory_space<vmem>>, vector<16xi32>,
    %get3A_32 = arith.constant 1 : i32
    %get3A_33 = arith.index_cast %get3A_32 : i32 to index
    %get3A_34 = arith.constant 496 : index
    %get3A_35 = tpu.vector_load %arg7[%get3A_33, %get3A_34] {strides = array<i32>} : memref<2x512xi32, #tpu.memory_space<vmem>>, vector<16xi32>,
    %scan3A_36 = arith.constant 0 : i32
    %scan3A_37 = arith.constant 0 : i32
    %scan3A_38 = arith.constant 16 : i32
    %scan3A_39 = arith.addi %scan3A_37, %scan3A_38 : i32
    %scan3A_40 = arith.constant 1 : i32
    scf.for %scan3A_132 = %scan3A_37 to %scan3A_39 step %scan3A_40  : i32 {
      %eq3A = vector.broadcast %scan3A_132 : i32 to vector<16xi32>
      %eq3A_133 = arith.cmpi eq, %iota3A, %eq3A : vector<16xi32>
      %jit3A = arith.constant 0 : i32
      %broadcast_in_dim3A_134 = vector.broadcast %jit3A : i32 to vector<16xi32>
      %select_n3A = arith.select %eq3A_133, %get3A_31, %broadcast_in_dim3A_134 : vector<16xi1>, vector<16xi32>
      %reduce_sum3A = arith.constant true
      %reduce_sum3A_135 = vector.broadcast %reduce_sum3A : i1 to vector<16xi1>
      %reduce_sum3A_136 = tpu.scan <sum>, %select_n3A masked %reduce_sum3A_135 : vector<16xi32>, vector<16xi1> -> vector<16xi32>
      %reduce_sum3A_137 = vector.extract %reduce_sum3A_136[15] : i32 from vector<16xi32>
      %multiple_of3A = tpu.assume_multiple %reduce_sum3A_137, 16 : i32
      %jit3A_138 = arith.constant 0 : i32
      %broadcast_in_dim3A_139 = vector.broadcast %jit3A_138 : i32 to vector<16xi32>
      %select_n3A_140 = arith.select %eq3A_133, %get3A_35, %broadcast_in_dim3A_139 : vector<16xi1>, vector<16xi32>
      %reduce_sum3A_141 = arith.constant true
      %reduce_sum3A_142 = vector.broadcast %reduce_sum3A_141 : i1 to vector<16xi1>
      %reduce_sum3A_143 = tpu.scan <sum>, %select_n3A_140 masked %reduce_sum3A_142 : vector<16xi32>, vector<16xi1> -> vector<16xi32>
      %reduce_sum3A_144 = vector.extract %reduce_sum3A_143[15] : i32 from vector<16xi32>
      %multiple_of3A_145 = tpu.assume_multiple %reduce_sum3A_144, 16 : i32
      %mul3A_146 = arith.constant 16 : i32
      %mul3A_147 = arith.muli %scan3A_132, %mul3A_146 : i32
      %dma_start3A = arith.constant 0 : i32
      %dma_start3A_148 = tpu.memref_slice %arg10[%dma_start3A, %mul3A_147] : memref<16x256xf32, #tpu.memory_space<vmem>> -> memref<8x16xf32, #tpu.memory_space<vmem>>
      %dma_start3A_149 = arith.constant 0 : i32
      %dma_start3A_150 = tpu.memref_slice %arg4[%dma_start3A_149, %multiple_of3A] : memref<16x1000000xf32, #tpu.memory_space<hbm>> -> memref<8x16xf32, #tpu.memory_space<hbm>>
      %dma_start3A_151 = arith.constant 0 : i32
      %dma_start3A_152 = tpu.memref_slice %arg10[%dma_start3A_151, %mul3A_147] : memref<16x256xf32, #tpu.memory_space<vmem>> -> memref<8x16xf32, #tpu.memory_space<vmem>>
      %dma_start3A_153 = arith.constant 0 : i32
      %dma_start3A_154 = tpu.memref_slice %arg4[%dma_start3A_153, %multiple_of3A] : memref<16x1000000xf32, #tpu.memory_space<hbm>> -> memref<8x16xf32, #tpu.memory_space<hbm>>
      tpu.enqueue_dma source(%dma_start3A_154 : memref<8x16xf32, #tpu.memory_space<hbm>>) target(%dma_start3A_152 : memref<8x16xf32, #tpu.memory_space<vmem>>) target_semaphore(%arg15 : memref<!tpu.dma_semaphore, #tpu.memory_space<semaphore_mem>>)
      %dma_start3A_155 = arith.constant 0 : i32
      %dma_start3A_156 = tpu.memref_slice %arg12[%dma_start3A_155, %mul3A_147] : memref<16x256xf32, #tpu.memory_space<vmem>> -> memref<8x16xf32, #tpu.memory_space<vmem>>
      %dma_start3A_157 = arith.constant 0 : i32
      %dma_start3A_158 = tpu.memref_slice %arg5[%dma_start3A_157, %multiple_of3A_145] : memref<16x1000000xf32, #tpu.memory_space<hbm>> -> memref<8x16xf32, #tpu.memory_space<hbm>>
      %dma_start3A_159 = arith.constant 0 : i32
      %dma_start3A_160 = tpu.memref_slice %arg12[%dma_start3A_159, %mul3A_147] : memref<16x256xf32, #tpu.memory_space<vmem>> -> memref<8x16xf32, #tpu.memory_space<vmem>>
      %dma_start3A_161 = arith.constant 0 : i32
      %dma_start3A_162 = tpu.memref_slice %arg5[%dma_start3A_161, %multiple_of3A_145] : memref<16x1000000xf32, #tpu.memory_space<hbm>> -> memref<8x16xf32, #tpu.memory_space<hbm>>
      tpu.enqueue_dma source(%dma_start3A_162 : memref<8x16xf32, #tpu.memory_space<hbm>>) target(%dma_start3A_160 : memref<8x16xf32, #tpu.memory_space<vmem>>) target_semaphore(%arg15 : memref<!tpu.dma_semaphore, #tpu.memory_space<semaphore_mem>>)
      %dma_start3A_163 = arith.constant 8 : i32
      %dma_start3A_164 = tpu.memref_slice %arg10[%dma_start3A_163, %mul3A_147] : memref<16x256xf32, #tpu.memory_space<vmem>> -> memref<8x16xf32, #tpu.memory_space<vmem>>
      %dma_start3A_165 = arith.constant 8 : i32
      %dma_start3A_166 = tpu.memref_slice %arg4[%dma_start3A_165, %multiple_of3A] : memref<16x1000000xf32, #tpu.memory_space<hbm>> -> memref<8x16xf32, #tpu.memory_space<hbm>>
      %dma_start3A_167 = arith.constant 8 : i32
      %dma_start3A_168 = tpu.memref_slice %arg10[%dma_start3A_167, %mul3A_147] : memref<16x256xf32, #tpu.memory_space<vmem>> -> memref<8x16xf32, #tpu.memory_space<vmem>>
      %dma_start3A_169 = arith.constant 8 : i32
      %dma_start3A_170 = tpu.memref_slice %arg4[%dma_start3A_169, %multiple_of3A] : memref<16x1000000xf32, #tpu.memory_space<hbm>> -> memref<8x16xf32, #tpu.memory_space<hbm>>
      tpu.enqueue_dma source(%dma_start3A_170 : memref<8x16xf32, #tpu.memory_space<hbm>>) target(%dma_start3A_168 : memref<8x16xf32, #tpu.memory_space<vmem>>) target_semaphore(%arg15 : memref<!tpu.dma_semaphore, #tpu.memory_space<semaphore_mem>>)
      %dma_start3A_171 = arith.constant 8 : i32
      %dma_start3A_172 = tpu.memref_slice %arg12[%dma_start3A_171, %mul3A_147] : memref<16x256xf32, #tpu.memory_space<vmem>> -> memref<8x16xf32, #tpu.memory_space<vmem>>
      %dma_start3A_173 = arith.constant 8 : i32
      %dma_start3A_174 = tpu.memref_slice %arg5[%dma_start3A_173, %multiple_of3A_145] : memref<16x1000000xf32, #tpu.memory_space<hbm>> -> memref<8x16xf32, #tpu.memory_space<hbm>>
      %dma_start3A_175 = arith.constant 8 : i32
      %dma_start3A_176 = tpu.memref_slice %arg12[%dma_start3A_175, %mul3A_147] : memref<16x256xf32, #tpu.memory_space<vmem>> -> memref<8x16xf32, #tpu.memory_space<vmem>>
      %dma_start3A_177 = arith.constant 8 : i32
      %dma_start3A_178 = tpu.memref_slice %arg5[%dma_start3A_177, %multiple_of3A_145] : memref<16x1000000xf32, #tpu.memory_space<hbm>> -> memref<8x16xf32, #tpu.memory_space<hbm>>
      tpu.enqueue_dma source(%dma_start3A_178 : memref<8x16xf32, #tpu.memory_space<hbm>>) target(%dma_start3A_176 : memref<8x16xf32, #tpu.memory_space<vmem>>) target_semaphore(%arg15 : memref<!tpu.dma_semaphore, #tpu.memory_space<semaphore_mem>>)
    }
    %scan3A_41 = arith.constant 16 : i32
    %dma_wait3A = arith.constant 0 : i32
    %dma_wait3A_42 = arith.constant 0 : i32
    %dma_wait3A_43 = tpu.memref_slice %arg4[%dma_wait3A, %dma_wait3A_42] : memref<16x1000000xf32, #tpu.memory_space<hbm>> -> memref<16x256xf32, #tpu.memory_space<hbm>>
    %dma_wait3A_44 = arith.constant 0 : i32
    %dma_wait3A_45 = arith.constant 0 : i32
    %dma_wait3A_46 = tpu.memref_slice %arg4[%dma_wait3A_44, %dma_wait3A_45] : memref<16x1000000xf32, #tpu.memory_space<hbm>> -> memref<16x256xf32, #tpu.memory_space<hbm>>
    tpu.wait_dma2 semaphore(%arg14 : memref<!tpu.dma_semaphore, #tpu.memory_space<semaphore_mem>>) src(%dma_wait3A_46 : memref<16x256xf32, #tpu.memory_space<hbm>>) dst(%arg9 : memref<16x256xf32, #tpu.memory_space<vmem>>)
    %dma_wait3A_47 = arith.constant 0 : i32
    %dma_wait3A_48 = arith.constant 0 : i32
    %dma_wait3A_49 = tpu.memref_slice %arg5[%dma_wait3A_47, %dma_wait3A_48] : memref<16x1000000xf32, #tpu.memory_space<hbm>> -> memref<16x256xf32, #tpu.memory_space<hbm>>
    %dma_wait3A_50 = arith.constant 0 : i32
    %dma_wait3A_51 = arith.constant 0 : i32
    %dma_wait3A_52 = tpu.memref_slice %arg5[%dma_wait3A_50, %dma_wait3A_51] : memref<16x1000000xf32, #tpu.memory_space<hbm>> -> memref<16x256xf32, #tpu.memory_space<hbm>>
    tpu.wait_dma2 semaphore(%arg14 : memref<!tpu.dma_semaphore, #tpu.memory_space<semaphore_mem>>) src(%dma_wait3A_52 : memref<16x256xf32, #tpu.memory_space<hbm>>) dst(%arg11 : memref<16x256xf32, #tpu.memory_space<vmem>>)
    %mul3A_53 = arith.constant 16 : i32
    %mul3A_54 = vector.broadcast %mul3A_53 : i32 to vector<16xi32>
    %mul3A_55 = arith.muli %iota3A, %mul3A_54 : vector<16xi32>
    %get3A_56 = arith.constant 0 : i32
    %get3A_57 = arith.index_cast %get3A_56 : i32 to index
    %get3A_58 = arith.constant 480 : index
    %get3A_59 = tpu.vector_load %arg8[%get3A_57, %get3A_58] {strides = array<i32>} : memref<2x512xi32, #tpu.memory_space<vmem>>, vector<16xi32>,
    %add3A_60 = arith.addi %mul3A_55, %get3A_59 : vector<16xi32>
    %mul3A_61 = arith.constant 16 : i32
    %mul3A_62 = vector.broadcast %mul3A_61 : i32 to vector<16xi32>
    %mul3A_63 = arith.muli %iota3A, %mul3A_62 : vector<16xi32>
    %get3A_64 = arith.constant 1 : i32
    %get3A_65 = arith.index_cast %get3A_64 : i32 to index
    %get3A_66 = arith.constant 480 : index
    %get3A_67 = tpu.vector_load %arg8[%get3A_65, %get3A_66] {strides = array<i32>} : memref<2x512xi32, #tpu.memory_space<vmem>>, vector<16xi32>,
    %add3A_68 = arith.addi %mul3A_63, %get3A_67 : vector<16xi32>
    %broadcast_in_dim3A = arith.constant 0.000000e+00 : f32
    %broadcast_in_dim3A_69 = vector.broadcast %broadcast_in_dim3A : f32 to vector<16xf32>
    %scan3A_70 = arith.constant 0 : i32
    %scan3A_71 = arith.constant 16 : i32
    %scan3A_72 = arith.addi %scan3A_70, %scan3A_71 : i32
    %scan3A_73 = arith.constant 1 : i32
    %scan3A_74 = scf.for %scan3A_132 = %scan3A_70 to %scan3A_72 step %scan3A_73 iter_args(%scan3A_133 = %broadcast_in_dim3A_69) -> (vector<16xf32>)  : i32 {
      %broadcast_in_dim3A_134 = vector.broadcast %scan3A_132 : i32 to vector<16xi32>
      %gather3A = tpu.vector_load_idx %arg9[%broadcast_in_dim3A_134, %add3A_60] : memref<16x256xf32, #tpu.memory_space<vmem>>[vector<16xi32>, vector<16xi32>], vector<16xf32>,
      %gather3A_135 = tpu.vector_load_idx %arg11[%broadcast_in_dim3A_134, %add3A_68] : memref<16x256xf32, #tpu.memory_space<vmem>>[vector<16xi32>, vector<16xi32>], vector<16xf32>,
      %mul3A_136 = arith.mulf %gather3A, %gather3A_135 : vector<16xf32>
      %add3A_137 = arith.addf %scan3A_133, %mul3A_136 : vector<16xf32>
      scf.yield %add3A_137 : vector<16xf32>
    }
    %scan3A_75 = arith.constant 16 : i32
    %neg3A = arith.constant 0.000000e+00 : f32
    %neg3A_76 = vector.broadcast %neg3A : f32 to vector<16xf32>
    %neg3A_77 = arith.subf %neg3A_76, %scan3A_74 : vector<16xf32>
    %exp3A = math.exp %neg3A_77 : vector<16xf32>
    %add3A_78 = arith.constant 1.000000e+00 : f32
    %add3A_79 = vector.broadcast %add3A_78 : f32 to vector<16xf32>
    %add3A_80 = arith.addf %add3A_79, %exp3A : vector<16xf32>
    %div3A = arith.constant 1.000000e+00 : f32
    %div3A_81 = vector.broadcast %div3A : f32 to vector<16xf32>
    %div3A_82 = arith.divf %div3A_81, %add3A_80 : vector<16xf32>
    %swap3A = arith.constant 480 : index
    %swap3A_83 = tpu.vector_load %arg13[%swap3A] {strides = array<i32>} : memref<512xf32, #tpu.memory_space<vmem>>, vector<16xf32>,
    tpu.vector_store %arg13[%swap3A], %div3A_82 {strides = array<i32>} : memref<512xf32, #tpu.memory_space<vmem>>, vector<16xf32>,
    %dma_wait3A_84 = arith.constant 0 : i32
    %dma_wait3A_85 = arith.constant 0 : i32
    %dma_wait3A_86 = tpu.memref_slice %arg4[%dma_wait3A_84, %dma_wait3A_85] : memref<16x1000000xf32, #tpu.memory_space<hbm>> -> memref<16x256xf32, #tpu.memory_space<hbm>>
    %dma_wait3A_87 = arith.constant 0 : i32
    %dma_wait3A_88 = arith.constant 0 : i32
    %dma_wait3A_89 = tpu.memref_slice %arg4[%dma_wait3A_87, %dma_wait3A_88] : memref<16x1000000xf32, #tpu.memory_space<hbm>> -> memref<16x256xf32, #tpu.memory_space<hbm>>
    tpu.wait_dma2 semaphore(%arg15 : memref<!tpu.dma_semaphore, #tpu.memory_space<semaphore_mem>>) src(%dma_wait3A_89 : memref<16x256xf32, #tpu.memory_space<hbm>>) dst(%arg10 : memref<16x256xf32, #tpu.memory_space<vmem>>)
    %dma_wait3A_90 = arith.constant 0 : i32
    %dma_wait3A_91 = arith.constant 0 : i32
    %dma_wait3A_92 = tpu.memref_slice %arg5[%dma_wait3A_90, %dma_wait3A_91] : memref<16x1000000xf32, #tpu.memory_space<hbm>> -> memref<16x256xf32, #tpu.memory_space<hbm>>
    %dma_wait3A_93 = arith.constant 0 : i32
    %dma_wait3A_94 = arith.constant 0 : i32
    %dma_wait3A_95 = tpu.memref_slice %arg5[%dma_wait3A_93, %dma_wait3A_94] : memref<16x1000000xf32, #tpu.memory_space<hbm>> -> memref<16x256xf32, #tpu.memory_space<hbm>>
    tpu.wait_dma2 semaphore(%arg15 : memref<!tpu.dma_semaphore, #tpu.memory_space<semaphore_mem>>) src(%dma_wait3A_95 : memref<16x256xf32, #tpu.memory_space<hbm>>) dst(%arg12 : memref<16x256xf32, #tpu.memory_space<vmem>>)
    %mul3A_96 = arith.constant 16 : i32
    %mul3A_97 = vector.broadcast %mul3A_96 : i32 to vector<16xi32>
    %mul3A_98 = arith.muli %iota3A, %mul3A_97 : vector<16xi32>
    %get3A_99 = arith.constant 0 : i32
    %get3A_100 = arith.index_cast %get3A_99 : i32 to index
    %get3A_101 = arith.constant 496 : index
    %get3A_102 = tpu.vector_load %arg8[%get3A_100, %get3A_101] {strides = array<i32>} : memref<2x512xi32, #tpu.memory_space<vmem>>, vector<16xi32>,
    %add3A_103 = arith.addi %mul3A_98, %get3A_102 : vector<16xi32>
    %mul3A_104 = arith.constant 16 : i32
    %mul3A_105 = vector.broadcast %mul3A_104 : i32 to vector<16xi32>
    %mul3A_106 = arith.muli %iota3A, %mul3A_105 : vector<16xi32>
    %get3A_107 = arith.constant 1 : i32
    %get3A_108 = arith.index_cast %get3A_107 : i32 to index
    %get3A_109 = arith.constant 496 : index
    %get3A_110 = tpu.vector_load %arg8[%get3A_108, %get3A_109] {strides = array<i32>} : memref<2x512xi32, #tpu.memory_space<vmem>>, vector<16xi32>,
    %add3A_111 = arith.addi %mul3A_106, %get3A_110 : vector<16xi32>
    %broadcast_in_dim3A_112 = arith.constant 0.000000e+00 : f32
    %broadcast_in_dim3A_113 = vector.broadcast %broadcast_in_dim3A_112 : f32 to vector<16xf32>
    %scan3A_114 = arith.constant 0 : i32
    %scan3A_115 = arith.constant 16 : i32
    %scan3A_116 = arith.addi %scan3A_114, %scan3A_115 : i32
    %scan3A_117 = arith.constant 1 : i32
    %scan3A_118 = scf.for %scan3A_132 = %scan3A_114 to %scan3A_116 step %scan3A_117 iter_args(%scan3A_133 = %broadcast_in_dim3A_113) -> (vector<16xf32>)  : i32 {
      %broadcast_in_dim3A_134 = vector.broadcast %scan3A_132 : i32 to vector<16xi32>
      %gather3A = tpu.vector_load_idx %arg10[%broadcast_in_dim3A_134, %add3A_103] : memref<16x256xf32, #tpu.memory_space<vmem>>[vector<16xi32>, vector<16xi32>], vector<16xf32>,
      %gather3A_135 = tpu.vector_load_idx %arg12[%broadcast_in_dim3A_134, %add3A_111] : memref<16x256xf32, #tpu.memory_space<vmem>>[vector<16xi32>, vector<16xi32>], vector<16xf32>,
      %mul3A_136 = arith.mulf %gather3A, %gather3A_135 : vector<16xf32>
      %add3A_137 = arith.addf %scan3A_133, %mul3A_136 : vector<16xf32>
      scf.yield %add3A_137 : vector<16xf32>
    }
    %scan3A_119 = arith.constant 16 : i32
    %neg3A_120 = arith.constant 0.000000e+00 : f32
    %neg3A_121 = vector.broadcast %neg3A_120 : f32 to vector<16xf32>
    %neg3A_122 = arith.subf %neg3A_121, %scan3A_118 : vector<16xf32>
    %exp3A_123 = math.exp %neg3A_122 : vector<16xf32>
    %add3A_124 = arith.constant 1.000000e+00 : f32
    %add3A_125 = vector.broadcast %add3A_124 : f32 to vector<16xf32>
    %add3A_126 = arith.addf %add3A_125, %exp3A_123 : vector<16xf32>
    %div3A_127 = arith.constant 1.000000e+00 : f32
    %div3A_128 = vector.broadcast %div3A_127 : f32 to vector<16xf32>
    %div3A_129 = arith.divf %div3A_128, %add3A_126 : vector<16xf32>
    %swap3A_130 = arith.constant 496 : index
    %swap3A_131 = tpu.vector_load %arg13[%swap3A_130] {strides = array<i32>} : memref<512xf32, #tpu.memory_space<vmem>>, vector<16xf32>,
    tpu.vector_store %arg13[%swap3A_130], %div3A_129 {strides = array<i32>} : memref<512xf32, #tpu.memory_space<vmem>>, vector<16xf32>,
    "tpu.region"() ({
      %run_scoped3A_132 = tpu.sem_alloc : memref<!tpu.dma_semaphore, #tpu.memory_space<semaphore_mem>>
      %dma_start3A = tpu.memref_slice %arg6[%mul3A_2] : memref<16384xf32, #tpu.memory_space<hbm>> -> memref<512xf32, #tpu.memory_space<hbm>>
      %dma_start3A_133 = tpu.memref_slice %arg6[%mul3A_2] : memref<16384xf32, #tpu.memory_space<hbm>> -> memref<512xf32, #tpu.memory_space<hbm>>
      tpu.enqueue_dma source(%arg13 : memref<512xf32, #tpu.memory_space<vmem>>) target(%dma_start3A_133 : memref<512xf32, #tpu.memory_space<hbm>>) target_semaphore(%run_scoped3A_132 : memref<!tpu.dma_semaphore, #tpu.memory_space<semaphore_mem>>)
      %dma_wait3A_134 = tpu.memref_slice %arg6[%mul3A_2] : memref<16384xf32, #tpu.memory_space<hbm>> -> memref<512xf32, #tpu.memory_space<hbm>>
      %dma_wait3A_135 = tpu.memref_slice %arg6[%mul3A_2] : memref<16384xf32, #tpu.memory_space<hbm>> -> memref<512xf32, #tpu.memory_space<hbm>>
      tpu.wait_dma2 semaphore(%run_scoped3A_132 : memref<!tpu.dma_semaphore, #tpu.memory_space<semaphore_mem>>) src(%arg13 : memref<512xf32, #tpu.memory_space<vmem>>) dst(%dma_wait3A_135 : memref<512xf32, #tpu.memory_space<hbm>>)
      tpu.yield
    }) : () -> ()
    return
  }
}

</mosaic_0001>

<sc_bundles>
// kernel: kernel.3.cloned.1.call-start
scs
__scs_entry_jumppad:
0x0: {  	(pc) =	sbr.rel $0x88, $3  }
0x1: {  	(tag) =	ssettag $0x0;
	lr =	simm.s32 $0x1  }
0x2: {  	[smem:$0x3F9D] =	sst lr;
	_ =	strace $0xD0000000  }
0x3: {  	_ = 	snop  }
0x4: {  	_ = 	snop  }
0x5: {  	_ = 	snop  }
0x6: {  	_ = 	snop  }
0x7: {  	_ = 	snop  }
__scs_overlays_trampoline_lowered:
0x8: {  	[smem:$0x3FAC] =	sst s0  }
0x9: {  	[smem:$0x3FAD] =	sst s1  }
0xa: {  	[smem:$0x3FAE] =	sst s2  }
0xb: {  	[smem:$0x3FAF] =	sst s3  }
0xc: {  	[smem:$0x3FB0] =	sst s4  }
0xd: {  	[smem:$0x3FB1] =	sst s5  }
0xe: {  	[smem:$0x3FB2] =	sst s6  }
0xf: {  	[smem:$0x3FB3] =	sst s7  }
0x10: {  	[smem:$0x3FB4] =	sst s8  }
0x11: {  	[smem:$0x3FB5] =	sst s9;
	s0 =	simm.s32 @!p0 $0x0  }
0x12: {  	s1 =	sld [smem:$0x3F9B];
	s0 =	simm.s32 @p0 $0x1  }
0x13: {  	[smem:$0x3FB6] =	sst s0;
	s0 =	simm.s32 @!p1 $0x0  }
0x14: {  	s2 =	sld [smem:$0x3F9A];
	s0 =	simm.s32 @p1 $0x1  }
0x15: {  	[smem:$0x3FB7] =	sst s0;
	s0 =	simm.s32 @!p2 $0x0  }
0x16: {  	s3 =	sld [smem:$0x3FDB];
	s0 =	simm.s32 @p2 $0x1  }
0x17: {  	s4 =	simm.s32 $0x1BF5;
	[smem:$0x3FB9] =	sst s0  }
0x18: {  	s0 =	sld [smem:$0x3F9C];
	_ =	swait.ge [sflag:s4], $0x0  }
0x19: {  	s7 =	sld [smem:$0x3F9D]  }
0x1a: {  	s8 =	sadd.s32 $0xFFFFE003, lr  }
0x1b: {  	s9 =	sadd.s32 $0xFFFFFEF7, lr;
	s5 =	simm.s32 $0xFFFFFFFF;
	p2 =	slt.u32 s8, $0xFFFFF086  }
0x1c: {  	p1 =	slt.u32 s9, $0xF7A;
	s5 =	simm.s32 @!p2 $0x0  }
0x1d: {  	s5 =	simm.s32 @p1 $0x1;
	p0 =	seq.s32 s7, s2  }
0x1e: {  	s7 =	smul.u32 @!p0 $0xF7A, s2;
	p2 =	seq.s32 @!p0 s5, $0x0  }
0x1f: {  	s9 =	smul.u32 $0xF7A, s1;
	s8 =	simm.s32 @!p0 $0x1BF5;
	p2 =	por !p2, p0  }
0x20: {  	[sflag:s8] =	ssyncset.s32 @!p0 $0xFFFFF086;
	s6 =	sadd.s32 @!p0 s3, s7;
	s7 =	simm.s32 @!p0 $0x108  }
0x21: {  	s3 =	sadd.s32 s3, s9;
	s6 =	sadd.s32 @!p0 $0x88, s6;
	s7 =	simm.s32 @p2 $0x1082  }
0x22: {  	[simem:s7], [sflag:s8] =	dma.local @!p0 [hbm:s6], $0xF7A  }
0x23: {  	s9 =	sor.u32 $0xD0000000, s2;
	s6 =	simm.s32 $0x108;
	_ =	swait.ge @!p0 [sflag:s8], $0x0  }
0x24: {  	s3 =	sadd.s32 $0x88, s3;
	s6 =	simm.s32 @!p1 $0x1082;
	[sflag:s4] =	ssyncset.s32 $0xFFFFF086  }
0x25: {  	[simem:s6], [sflag:s4] =	dma.local [hbm:s3], $0xF7A  }
0x26: {  	[smem:$0x3F9D] =	sst s1;
	(tag) =	ssettag s2;
	_ =	strace s9  }
0x27: {  	s1 =	sld [smem:$0x3FAD]  }
0x28: {  	s2 =	sld [smem:$0x3FAE]  }
0x29: {  	s4 =	sld [smem:$0x3FB0]  }
0x2a: {  	p0 =	seq.s32 s5, $0x0;
	s5 =	sld [smem:$0x3FB1]  }
0x2b: {  	s6 =	sld [smem:$0x3FB2]  }
0x2c: {  	s7 =	sld [smem:$0x3FB3]  }
0x2d: {  	s3 =	simm.s32 $0x108;
	s8 =	sld [smem:$0x3FB4]  }
0x2e: {  	s3 =	simm.s32 @!p0 $0x1082;
	s9 =	sld [smem:$0x3FB5]  }
0x2f: {  	lr =	sadd.s32 s0, s3;
	s0 =	sld [smem:$0x3FAC]  }
0x30: {  	s3 =	sld [smem:$0x3FAF]  }
0x31: {  	[smem:$0x3FB8] =	sst s10  }
0x32: {  	s10 =	sld [smem:$0x3FB6];
	_ =	sdelay $0x3  }
0x33: {  	p0 =	seq.s32 s10, $0x1;
	s10 =	sld [smem:$0x3FB8];
	_ =	sdelay $0x3  }
0x34: {  	[smem:$0x3FB8] =	sst s10  }
0x35: {  	s10 =	sld [smem:$0x3FB7];
	_ =	sdelay $0x3  }
0x36: {  	p1 =	seq.s32 s10, $0x1;
	s10 =	sld [smem:$0x3FB8];
	_ =	sdelay $0x3  }
0x37: {  	[smem:$0x3FB8] =	sst s10  }
0x38: {  	s10 =	sld [smem:$0x3FB9]  }
0x39: {  	_ = 	snop;
	(pc) =	sbr.ind lr, $3  }
0x3a: {  	_ = 	snop  }
0x3b: {  	_ = 	snop  }
0x3c: {  	p2 =	seq.s32 s10, $0x1;
	s10 =	sld [smem:$0x3FB8]  }
0x3d: {  	_ =	shalt  }
0x3e: {  	_ =	shalt  }
0x3f: {  	_ =	shalt  }
0x40: {  	_ =	shalt  }
0x41: {  	_ =	shalt  }
0x42: {  	_ =	shalt  }
0x43: {  	_ =	shalt  }
0x44: {  	_ =	shalt  }
0x45: {  	_ =	shalt  }
0x46: {  	_ =	shalt  }
0x47: {  	_ =	shalt  }
0x48: {  	_ =	shalt  }
0x49: {  	_ =	shalt  }
0x4a: {  	_ =	shalt  }
0x4b: {  	_ =	shalt  }
0x4c: {  	_ =	shalt  }
0x4d: {  	_ =	shalt  }
0x4e: {  	_ =	shalt  }
0x4f: {  	_ =	shalt  }
0x50: {  	_ =	shalt  }
0x51: {  	_ =	shalt  }
0x52: {  	_ =	shalt  }
0x53: {  	_ =	shalt  }
0x54: {  	_ =	shalt  }
0x55: {  	_ =	shalt  }
0x56: {  	_ =	shalt  }
0x57: {  	_ =	shalt  }
0x58: {  	_ =	shalt  }
0x59: {  	_ =	shalt  }
0x5a: {  	_ =	shalt  }
0x5b: {  	_ =	shalt  }
0x5c: {  	_ =	shalt  }
0x5d: {  	_ =	shalt  }
0x5e: {  	_ =	shalt  }
0x5f: {  	_ =	shalt  }
0x60: {  	_ =	shalt  }
0x61: {  	_ =	shalt  }
0x62: {  	_ =	shalt  }
0x63: {  	_ =	shalt  }
0x64: {  	_ =	shalt  }
0x65: {  	_ =	shalt  }
0x66: {  	_ =	shalt  }
0x67: {  	_ =	shalt  }
0x68: {  	_ =	shalt  }
0x69: {  	_ =	shalt  }
0x6a: {  	_ =	shalt  }
0x6b: {  	_ =	shalt  }
0x6c: {  	_ =	shalt  }
0x6d: {  	_ =	shalt  }
0x6e: {  	_ =	shalt  }
0x6f: {  	_ =	shalt  }
0x70: {  	_ =	shalt  }
0x71: {  	_ =	shalt  }
0x72: {  	_ =	shalt  }
0x73: {  	_ =	shalt  }
0x74: {  	_ =	shalt  }
0x75: {  	_ =	shalt  }
0x76: {  	_ =	shalt  }
0x77: {  	_ =	shalt  }
0x78: {  	_ =	shalt  }
0x79: {  	_ =	shalt  }
0x7a: {  	_ =	shalt  }
0x7b: {  	_ =	shalt  }
0x7c: {  	_ =	shalt  }
0x7d: {  	_ =	shalt  }
0x7e: {  	_ =	shalt  }
0x7f: {  	_ =	shalt  }
0x80: {  	_ =	shalt  }
0x81: {  	_ =	shalt  }
0x82: {  	_ =	shalt  }
0x83: {  	_ =	shalt  }
0x84: {  	_ =	shalt  }
0x85: {  	_ =	shalt  }
0x86: {  	_ =	shalt  }
0x87: {  	_ =	shalt  }
.Lfunc_end0:
.L_simem_size_0:
called_computation_lowered:
.L_overlay_start_0:
0x88: {  	s2 =	sld [smem:$0x3FD9]  }
0x89: {  	s3 =	sld [smem:$0x3FFE];
	_ =	sdelay $0x1  }
0x8a: {  	s1 =	srdreg.scid  }
0x8b: {  	s0 =	sand.u32 $0x1, s1  }
0x8c: {  	s18 =	sshll.u32 s0, $0xA;
	s2 =	sadd.s32 s3, s2  }
0x8d: {  	s2 =	sadd.s32 s2, s18  }
0x8e: {  	[smem:$0x3FC4] =	sst s2  }
0x8f: {  	_ = 	snop  }
0x90: {  	s2 =	sld [smem:$0x3FC9]  }
0x91: {  	s19 =	sld [smem:$0x3FC8]  }
0x92: {  	s4 =	sld [smem:$0x3FC7]  }
0x93: {  	s5 =	sld [smem:$0x3FC6]  }
0x94: {  	s6 =	sld [smem:$0x3FD0];
	(tm) =	ssettm $0x1  }
0x95: {  	s7 =	sld [smem:$0x3FFB];
	_ =	sdelay $0x3  }
0x96: {  	_ =	strace s7  }
0x97: {  	s7 =	sld [smem:$0x3FFC];
	_ =	sdelay $0x3  }
0x98: {  	_ =	strace s7  }
0x99: {  	s7 =	sld [smem:$0x3FFD];
	_ =	sdelay $0x3  }
0x9a: {  	_ =	strace s7  }
0x9b: {  	_ =	strace $0x8FFFFFFF  }
0x9c: {  	s20 =	sld [smem:$0x3FDB];
	_ =	sdelay $0x1  }
0x9d: {  	s8 =	simm.s32 $_scs_section_size  }
0x9e: {  	s9 =	simm.s32 $_size__tile_overlayer_lowered;
	s10 =	simm.s32 $_tile_overlayer_lowered  }
0x9f: {  	s23 =	simm.s32 $0x1BFF;
	s22 =	sshll.u32 s10, $0x1;
	s7 =	sadd.s32 s8, s20  }
0xa0: {  	s11 =	simm.s32 $0x0;
	s21 =	sshll.u32 s9, $0x1;
	s9 =	sadd.s32 s22, s7  }
0xa1: {  	[timem:s11], [sflag:s23] =	dma.local [hbm:s9], s21  }
0xa2: {  	_ =	swait.ge [sflag:s23], s21  }
0xa3: {  	s8 =	ssub.s32 $0x0, s21;
	[sflag:s23] =	ssyncset.done $0x0  }
0xa4: {  	[sflag:s23] =	ssyncadd.s32 s8;
	_ =	sdelay $0x1  }
0xa5: {  	s24 =	simm.s32 $0x1B8B  }
0xa6: {  	_ =	swait.ge [sflag:s24], $0x1  }
0xa7: {  	[sflag:s24] =	ssyncset.done $0x0  }
0xa8: {  	s25 =	simm.s32 $0x1B8E;
	[sflag:s24] =	ssyncadd.s32 $0xFFFFFFFF  }
0xa9: {  	s26 =	simm.s32 $execute0_lowered;
	[smem:$0x3FD2] =	sst s25  }
0xaa: {  	s8 =	sshll.u32 s26, $0x1;
	_ =	strace $0x80000046;
	[dreg:$0x1] =	wrdreg $0xFFFFFFFF  }
0xab: {  	s28 =	simm.s32 $_size_execute0_lowered;
	s7 =	sadd.s32 s7, s8;
	[dreg:$0x0] =	wrdreg $0x0  }
0xac: {  	s8 =	sshll.u32 s28, $0x1;
	[dreg:$0x2] =	wrdreg s7  }
0xad: {  	[dreg:$0x3] =	wrdreg s8  }
0xae: {  	[dreg:$0x4] =	wrdreg $0xC0  }
0xaf: {  	_ =	task [dreg:s11], $0x5FFFF  }
0xb0: {  	[dreg:$0x1] =	wrdreg $0xFFFFFFFF  }
0xb1: {  	[dreg:$0x0] =	wrdreg $0x60  }
0xb2: {  	[dreg:$0x2] =	wrdreg s2  }
0xb3: {  	[dreg:$0x3] =	wrdreg s19  }
0xb4: {  	[dreg:$0x4] =	wrdreg s4  }
0xb5: {  	[dreg:$0x5] =	wrdreg s5  }
0xb6: {  	[dreg:$0x6] =	wrdreg s6  }
0xb7: {  	[dreg:$0x7] =	wrdreg $0x9  }
0xb8: {  	_ =	task.clear_ibuf [dreg:s11], $0x8FFFF;
	_ =	strace $0x90000046  }
0xb9: {  	s29 =	simm.s32 $0x9;
	_ =	strace $0x80000048  }
0xba: {  	_ =	swait.ge [sflag:s29], $0x1  }
0xbb: {  	[sflag:s29] =	ssyncadd.s32 $0xFFFFFFFF  }
0xbc: {  	_ =	strace $0x90000048  }
0xbd: {  	_ =	sfence  }
0xbe: {  	s30 =	sld [smem:$0x0];
	_ =	sdelay $0x2  }
0xbf: {  	s31 =	sshll.u32 s1, $0xD;
	s1 =	sshrl.u32 s1, $0x2  }
0xc0: {  	s3 =	sand.u32 $0x4000, s31;
	s1 =	sadd.s32 s1, s30  }
0xc1: {  	s0 =	sor.u32 s3, s0;
	s1 =	sshll.u32 s1, $0x11  }
0xc2: {  	s0 =	sor.u32 s1, s0  }
0xc3: {  	s0 =	sadd.s32 $0x8F2B, s0  }
0xc4: {  	[sflag:s0] =	ssyncadd.remote.s32 $0x1  }
0xc5: {  	_ =	sfence.sel $0xFFFF  }
0xc6: {  	[dreg:$0x0] =	wrdreg $0xFFFFFFFF;
	(pc) =	sbr.abs _section_cstart, $3  }
0xc7: {  	[dreg:$0x1] =	wrdreg $0xFFFFFFFF  }
0xc8: {  	_ =	task.clear_ibuf [dreg:s11], $0x2FFFF;
	_ =	strace $0x9FFFFFFF  }
0xc9: {  	(tm) =	ssettm $0x7FFFFFFF  }
tec
execute0_lowered:
.L_overlay_start_1:
0x0: {  	(tag) =	ssettag $0x1  }
0x1: {  	s0 =	rddreg [dreg:$0x0]  }
0x2: {  	s3 =	rddreg [dreg:$0x1]  }
0x3: {  	s1 =	rddreg [dreg:$0x2]  }
0x4: {  	s7 =	rddreg [dreg:$0x4];
	s5 =	srdreg.scid  }
0x5: {  	s4 =	simm.s32 $0x0;
	s8 =	stileid.u32;
	s5 =	sand.u32 $0x1, s5  }
0x6: {  	s8 =	sshll.u32 s8, $0x7;
	s6 =	ssub.s32 $0x2, s5;
	s5 =	sshll.u32 s5, $0x6  }
0x7: {  	[smem:$0x7FF] =	sst s4;
	s8 =	sor.u32 s5, s8  }
0x8: {  	s2 =	rddreg [dreg:$0x3];
	_ =	strace $0x80000047;
	s5 =	sadd.s32 s7, s8  }
0x9: {  	s9 =	sshrl.u32 s6, $0x1;
	s0 =	sadd.s32 s0, s8;
	[dreg:$0x8] =	wrdreg s5  }
0xa: {  	s9 =	ssub.s32 s6, s9;
	s3 =	sadd.s32 s3, s8;
	[dreg:$0x6] =	wrdreg s0  }
0xb: {  	s23 =	smax.u32 s9, $0x1;
	[dreg:$0x7] =	wrdreg s3  }
0xc: {  	s24 =	sadd.s32 $0x10, s0;
	[dreg:$0x9] =	wrdreg s23  }
0xd: {  	s25 =	sadd.s32 $0x20, s0;
	[dreg:$0xa] =	wrdreg s24  }
0xe: {  	s28 =	simm.s32 $0x1800;
	s0 =	sadd.s32 $0x30, s0;
	[dreg:$0xb] =	wrdreg s25  }
0xf: {  	s29 =	simm.s32 $0x3800;
	s26 =	sadd.s32 $0x10, s3;
	[dreg:$0xc] =	wrdreg s0  }
0x10: {  	s5 =	simm.s32 $0x3;
	s30 =	sadd.s32 $0x20, s3;
	[dreg:$0xd] =	wrdreg s26  }
0x11: {  	v0 =	vlaneseq.u32;
	s31 =	sadd.s32 $0x30, s3;
	s3 =	simm.s32 $0x0;
	[dreg:$0xe] =	wrdreg s30  }
0x12: {  	v1 =	vmul.u32 $0x10, v0;
	[dreg:$0xf] =	wrdreg s31;
	s24 =	simm.s32 $0x800;
	s25 =	simm.s32 $0x2800  }
.LBB2_1:
0x13: {  	[dreg:$0x10] =	wrdreg s3  }
0x14: {  	s0 =	rddreg [dreg:$0x6]  }
0x15: {  	[tilespmem:s4], [sflag:$0x3] =	stream.linear.gather [hbm4b:s0+s4], $0x80, $0x38;
	[tilespmem:$0x4A00] =	vst v63  }
0x16: {  	s11 =	rddreg [dreg:$0xa];
	s12 =	simm.s32 $0x100  }
0x17: {  	[tilespmem:s12], [sflag:$0x3] =	stream.linear.gather [hbm4b:s11+s4], $0x80, $0x38;
	[tilespmem:$0x4A00] =	vst v63  }
0x18: {  	s13 =	rddreg [dreg:$0xb];
	s14 =	simm.s32 $0x200  }
0x19: {  	[tilespmem:s14], [sflag:$0x3] =	stream.linear.gather [hbm4b:s13+s4], $0x80, $0x38;
	[tilespmem:$0x4A00] =	vst v63  }
0x1a: {  	s15 =	rddreg [dreg:$0xc];
	s16 =	simm.s32 $0x300  }
0x1b: {  	[tilespmem:s16], [sflag:$0x3] =	stream.linear.gather [hbm4b:s15+s4], $0x80, $0x38;
	[tilespmem:$0x4A00] =	vst v63  }
0x1c: {  	_ =	swait.ge [sflag:s5], $0x200  }
0x1d: {  	[sflag:s5] =	ssyncset.done $0x0  }
0x1e: {  	s18 =	simm.s32 $0x80;
	s17 =	rddreg [dreg:$0x7];
	[sflag:s5] =	ssyncadd.s32 $0xFFFFFE00  }
0x1f: {  	[tilespmem:s18], [sflag:$0x3] =	stream.linear.gather [hbm4b:s17+s4], $0x80, $0x38;
	[tilespmem:$0x4A00] =	vst v63  }
0x20: {  	s20 =	simm.s32 $0x180;
	s19 =	rddreg [dreg:$0xd]  }
0x21: {  	[tilespmem:s20], [sflag:$0x3] =	stream.linear.gather [hbm4b:s19+s4], $0x80, $0x38;
	[tilespmem:$0x4A00] =	vst v63  }
0x22: {  	s22 =	simm.s32 $0x280;
	s21 =	rddreg [dreg:$0xe]  }
0x23: {  	[tilespmem:s22], [sflag:$0x3] =	stream.linear.gather [hbm4b:s21+s4], $0x80, $0x38;
	[tilespmem:$0x4A00] =	vst v63  }
0x24: {  	s26 =	simm.s32 $0x380;
	s23 =	rddreg [dreg:$0xf]  }
0x25: {  	[tilespmem:s26], [sflag:$0x3] =	stream.linear.gather [hbm4b:s23+s4], $0x80, $0x38;
	[tilespmem:$0x4A00] =	vst v63  }
0x26: {  	_ =	swait.ge [sflag:s5], $0x200  }
0x27: {  	s30 =	sand.u32 $0x70, s4;
	s31 =	sand.u32 $0x300, s4;
	[sflag:s5] =	ssyncset.done $0x0  }
0x28: {  	s0 =	sor.u32 s30, s31;
	[sflag:s5] =	ssyncadd.s32 $0xFFFFFE00  }
0x29: {  	v2 =	vld [tilespmem:s0+$0x0]  }
0x2a: {  	v3 =	vld [tilespmem:s0+$0x80];
	_ =	sdelay $0x2  }
0x2b: {  	s7 =	simm.s32 $0x10;
	s3 =	simm.s32 $0x20  }
0x2c: {  	s7 =	sand.u32 $0x70, s7;
	s8 =	sand.u32 $0x300, s3;
	v4 =	vand.u32 $0xFFFFFFF0, v2  }
0x2d: {  	s7 =	sor.u32 s7, s8;
	s8 =	simm.s32 $0x20;
	v2 =	vand.u32 $0xF, v2;
	[tilespmem:s0+$0x0] =	vst v4;
	v4 =	vand.u32 $0xFFFFFFF0, v3;
	v3 =	vand.u32 $0xF, v3  }
.LBB2_2:
0x2e: {  	p0 =	sne.s32 s8, $0x1F0;
	v5 =	vld [tilespmem:s7+$0x0];
	[tilespmem:s0+$0x80] =	vst v4  }
0x2f: {  	v6 =	vld [tilespmem:s7+$0x80];
	[tilespmem:s0+$0x400] =	vst v2  }
.Ltmp0:
0x30: {  	[tilespmem:s0+$0x480] =	vst v3;
	s0 =	smov.u32 s7;
	(pc) =	sbr.rel @p0 .LBB2_2-.Ltmp0, $4  }
0x31: {  	_ = 	snop  }
0x32: {  	s3 =	sadd.s32 $0x20, s3  }
0x33: {  	s9 =	sand.u32 $0x300, s3;
	s7 =	sand.u32 $0x70, s8;
	v3 =	vand.u32 $0xFFFFFFF0, v5;
	v2 =	vand.u32 $0xF, v5  }
0x34: {  	s8 =	sadd.s32 $0x10, s8;
	s7 =	sor.u32 s7, s9;
	[tilespmem:s0+$0x0] =	vst v3;
	v4 =	vand.u32 $0xFFFFFFF0, v6;
	v3 =	vand.u32 $0xF, v6  }
0x35: {  	v5 =	vld [tilespmem:s7+$0x0]  }
0x36: {  	[tilespmem:s0+$0x80] =	vst v4  }
0x37: {  	v4 =	vld [tilespmem:s7+$0x80];
	_ =	sdelay $0x1  }
0x38: {  	[tilespmem:s0+$0x400] =	vst v2  }
0x39: {  	[tilespmem:s0+$0x480] =	vst v3;
	v2 =	vand.u32 $0xFFFFFFF0, v5  }
0x3a: {  	v3 =	vand.u32 $0xF, v5;
	[tilespmem:s7+$0x0] =	vst v2  }
0x3b: {  	v2 =	vand.u32 $0xFFFFFFF0, v4;
	[tilespmem:s7+$0x400] =	vst v3  }
0x3c: {  	[tilespmem:s7+$0x80] =	vst v2;
	v2 =	vand.u32 $0xF, v4  }
0x3d: {  	[tilespmem:s7+$0x480] =	vst v2  }
0x3e: {  	v2 =	vld [tilespmem:$0x80]  }
0x3f: {  	v3 =	vld [tilespmem:$0x0]  }
0x40: {  	s0 =	simm.s32 $0x0  }
0x41: {  	v4 =	vmov s0  }
0x42: {  	vm0 =	veq.s32 v4, v0  }
0x43: {  	v4 =	vnsel vm0, $0x0, v2  }
0x44: {  	v5 =	vnsel vm0, $0x0, v3;
	(xrf0) =	vadd.scan.msk.s32 $0xffff, v4  }
0x45: {  	(xrf0) =	vadd.scan.msk.s32 $0xffff, v5;
	_ =	sdelay $0x4  }
0x46: {  	v4, _, _ =	vpop (xrf0)  }
0x47: {  	v5, _, _ =	vpop (xrf0);
	(v2sf) =	vpush v4, $0xF  }
0x48: {  	(v2sf) =	vpush v5, $0xF;
	_ =	sdelay $0xc  }
0x49: {  	s12 =	simm.s32 $0x1;
	s14 =	simm.s32 $0x0  }
0x4a: {  	s20 =	sand.u32 $0x70, s0;
	s21 =	sand.u32 $0x400, s0;
	s3 =	spop (v2sf)  }
0x4b: {  	s17 =	spop (v2sf);
	s8 =	sshll.u32 s3, $0x3;
	s10 =	sand.u32 $0x70, s3  }
0x4c: {  	s3 =	sor.u32 s20, s21;
	s9 =	sshll.u32 s17, $0x3;
	s18 =	sand.u32 $0x70, s17  }
0x4d: {  	s8 =	sand.u32 $0xFFFFFC00, s8;
	s22 =	sor.u32 $0x880, s3;
	s19 =	sand.u32 $0xFFFFFC00, s9  }
0x4e: {  	s23 =	sor.u32 $0x900, s3;
	s30 =	sor.u32 $0x980, s3;
	s7 =	sor.u32 s18, s19  }
0x4f: {  	s16 =	sor.u32 $0xA00, s3;
	s8 =	sor.u32 s10, s8;
	s11 =	sshrl.u32 s7, $0x3  }
0x50: {  	s9 =	sor.u32 $0x800, s3;
	s7 =	sadd.s32 $0x7A1400, s7;
	s10 =	sadd.s32 s1, s11  }
0x51: {  	[tilespmem:s9], [sflag:$0x1] =	stream.linear.gather [hbm4b:s10+s0], $0x10, $0x38;
	[tilespmem:$0x4A00] =	vst v63  }
0x52: {  	s9 =	sshrl.u32 s8, $0x3;
	s13 =	sadd.s32 $0x10, s10;
	s8 =	sadd.s32 $0x7A1400, s8  }
0x53: {  	[tilespmem:s22], [sflag:$0x1] =	stream.linear.gather [hbm4b:s13+s0], $0x10, $0x38;
	[tilespmem:$0x4A00] =	vst v63  }
0x54: {  	s26 =	sadd.s32 $0x20, s10;
	s31 =	sadd.s32 $0x30, s10;
	s11 =	sadd.s32 $0x40, s10  }
0x55: {  	[tilespmem:s23], [sflag:$0x1] =	stream.linear.gather [hbm4b:s26+s0], $0x10, $0x38;
	[tilespmem:$0x4A00] =	vst v63  }
0x56: {  	s13 =	sshrl.u32 s8, $0x3;
	s8 =	sshrl.u32 s7, $0x3;
	s7 =	simm.s32 $0x0  }
0x57: {  	[tilespmem:s30], [sflag:$0x1] =	stream.linear.gather [hbm4b:s31+s0], $0x10, $0x38;
	[tilespmem:$0x4A00] =	vst v63  }
.LBB2_4:
0x58: {  	v4 =	vmov s12;
	p0 =	sne.s32 s12, $0xF;
	s12 =	sadd.s32 $0x1, s12  }
0x59: {  	vm0 =	veq.s32 v4, v0;
	[tilespmem:s16], [sflag:$0x1] =	stream.linear.gather [hbm4b:s11+s0], $0x10, $0x38;
	[tilespmem:$0x4A00] =	vst v63  }
0x5a: {  	s17 =	sor.u32 $0xB00, s3;
	s11 =	sadd.s32 $0x50, s10;
	s16 =	sor.u32 $0xA80, s3;
	v4 =	vnsel vm0, $0x0, v3;
	v5 =	vnsel vm0, $0x0, v2  }
0x5b: {  	(xrf0) =	vadd.scan.msk.s32 $0xffff, v5  }
0x5c: {  	[tilespmem:s16], [sflag:$0x1] =	stream.linear.gather [hbm4b:s11+s0], $0x10, $0x38;
	[tilespmem:$0x4A00] =	vst v63  }
0x5d: {  	s11 =	sadd.s32 $0x60, s10;
	s16 =	sor.u32 $0xB80, s3;
	(xrf0) =	vadd.scan.msk.s32 $0xffff, v4  }
0x5e: {  	[tilespmem:s17], [sflag:$0x1] =	stream.linear.gather [hbm4b:s11+s0], $0x10, $0x38;
	[tilespmem:$0x4A00] =	vst v63  }
0x5f: {  	s10 =	sadd.s32 $0x70, s10;
	s11 =	sor.u32 $0x2800, s3  }
0x60: {  	[tilespmem:s16], [sflag:$0x1] =	stream.linear.gather [hbm4b:s10+s0], $0x10, $0x38;
	[tilespmem:$0x4A00] =	vst v63  }
0x61: {  	s9 =	sadd.s32 s2, s9;
	s10 =	sor.u32 $0x2880, s3  }
0x62: {  	v4, _, _ =	vpop (xrf0);
	[tilespmem:s11], [sflag:$0x1] =	stream.linear.gather [hbm4b:s9+s0], $0x10, $0x38;
	[tilespmem:$0x4A00] =	vst v63  }
0x63: {  	s16 =	sor.u32 $0x2900, s3;
	s11 =	sadd.s32 $0x10, s9;
	v5, _, _ =	vpop (xrf0)  }
0x64: {  	[tilespmem:s10], [sflag:$0x1] =	stream.linear.gather [hbm4b:s11+s0], $0x10, $0x38;
	[tilespmem:$0x4A00] =	vst v63  }
0x65: {  	s10 =	sadd.s32 $0x20, s9;
	s11 =	sor.u32 $0x2980, s3  }
0x66: {  	[tilespmem:s16], [sflag:$0x1] =	stream.linear.gather [hbm4b:s10+s0], $0x10, $0x38;
	[tilespmem:$0x4A00] =	vst v63  }
0x67: {  	s7 =	sadd.s32 $0x10, s7;
	s10 =	sadd.s32 $0x30, s9;
	s16 =	sor.u32 $0x2A00, s3  }
0x68: {  	[tilespmem:s11], [sflag:$0x1] =	stream.linear.gather [hbm4b:s10+s0], $0x10, $0x38;
	[tilespmem:$0x4A00] =	vst v63  }
0x69: {  	s14 =	sadd.s32 $0x80, s14;
	s17 =	sor.u32 $0x2A80, s3;
	s10 =	sadd.s32 $0x40, s9  }
0x6a: {  	(v2sf) =	vpush v4, $0xF;
	[tilespmem:s16], [sflag:$0x1] =	stream.linear.gather [hbm4b:s10+s0], $0x10, $0x38;
	[tilespmem:$0x4A00] =	vst v63  }
0x6b: {  	s18 =	sor.u32 $0x2B00, s3;
	s11 =	sor.u32 $0x3100, s3;
	s10 =	sadd.s32 $0x50, s9  }
0x6c: {  	[tilespmem:s17], [sflag:$0x1] =	stream.linear.gather [hbm4b:s10+s0], $0x10, $0x38;
	[tilespmem:$0x4A00] =	vst v63  }
0x6d: {  	s16 =	sor.u32 $0x3080, s3;
	s10 =	sadd.s32 $0x60, s9;
	s17 =	sor.u32 $0x2B80, s3  }
0x6e: {  	(v2sf) =	vpush v5, $0xF;
	[tilespmem:s18], [sflag:$0x1] =	stream.linear.gather [hbm4b:s10+s0], $0x10, $0x38;
	[tilespmem:$0x4A00] =	vst v63  }
0x6f: {  	s9 =	sadd.s32 $0x70, s9;
	s10 =	sor.u32 $0x1000, s3;
	s18 =	sor.u32 $0x3000, s3  }
0x70: {  	[tilespmem:s17], [sflag:$0x1] =	stream.linear.gather [hbm4b:s9+s0], $0x10, $0x38;
	[tilespmem:$0x4A00] =	vst v63  }
0x71: {  	s8 =	sadd.s32 s1, s8;
	s9 =	sor.u32 $0x1080, s3;
	s17 =	sor.u32 $0x1280, s3  }
0x72: {  	[tilespmem:s10], [sflag:$0x1] =	stream.linear.gather [hbm4b:s8+s0], $0x10, $0x38;
	[tilespmem:$0x4A00] =	vst v63  }
0x73: {  	s20 =	sor.u32 $0x1100, s3;
	s19 =	sadd.s32 $0x10, s8;
	s10 =	sadd.s32 s2, s13  }
0x74: {  	[tilespmem:s9], [sflag:$0x1] =	stream.linear.gather [hbm4b:s19+s0], $0x10, $0x38;
	[tilespmem:$0x4A00] =	vst v63  }
0x75: {  	s13 =	sor.u32 $0x1180, s3;
	s9 =	sadd.s32 $0x20, s8;
	s19 =	sor.u32 $0x1380, s3  }
0x76: {  	[tilespmem:s20], [sflag:$0x1] =	stream.linear.gather [hbm4b:s9+s0], $0x10, $0x38;
	[tilespmem:$0x4A00] =	vst v63  }
0x77: {  	s22 =	sadd.s32 $0x20, s10;
	s9 =	sadd.s32 $0x30, s8;
	s20 =	sor.u32 $0x1300, s3  }
0x78: {  	[tilespmem:s13], [sflag:$0x1] =	stream.linear.gather [hbm4b:s9+s0], $0x10, $0x38;
	[tilespmem:$0x4A00] =	vst v63  }
0x79: {  	s30 =	sor.u32 $0x1200, s3;
	s13 =	sadd.s32 $0x40, s8;
	s9 =	spop (v2sf)  }
0x7a: {  	[tilespmem:s30], [sflag:$0x1] =	stream.linear.gather [hbm4b:s13+s0], $0x10, $0x38;
	[tilespmem:$0x4A00] =	vst v63  }
0x7b: {  	s21 =	sadd.s32 $0x60, s8;
	s13 =	sshll.u32 s9, $0x3;
	s30 =	sadd.s32 $0x50, s8  }
0x7c: {  	[tilespmem:s17], [sflag:$0x1] =	stream.linear.gather [hbm4b:s30+s0], $0x10, $0x38;
	[tilespmem:$0x4A00] =	vst v63  }
0x7d: {  	s9 =	sand.u32 $0x70, s9;
	s13 =	sand.u32 $0xFFFFFC00, s13;
	s17 =	spop (v2sf)  }
0x7e: {  	[tilespmem:s20], [sflag:$0x1] =	stream.linear.gather [hbm4b:s21+s0], $0x10, $0x38;
	[tilespmem:$0x4A00] =	vst v63  }
0x7f: {  	s8 =	sadd.s32 $0x70, s8;
	s13 =	sor.u32 s9, s13;
	s20 =	sshll.u32 s17, $0x3  }
0x80: {  	[tilespmem:s19], [sflag:$0x1] =	stream.linear.gather [hbm4b:s8+s0], $0x10, $0x38;
	[tilespmem:$0x4A00] =	vst v63  }
0x81: {  	s9 =	sshrl.u32 s13, $0x3;
	s8 =	sand.u32 $0x70, s17;
	s17 =	sand.u32 $0xFFFFFC00, s20  }
0x82: {  	[tilespmem:s18], [sflag:$0x1] =	stream.linear.gather [hbm4b:s10+s0], $0x10, $0x38;
	[tilespmem:$0x4A00] =	vst v63  }
0x83: {  	s13 =	sadd.s32 $0x7A1400, s13;
	s8 =	sor.u32 s8, s17;
	s17 =	sadd.s32 $0x10, s10  }
0x84: {  	[tilespmem:s16], [sflag:$0x1] =	stream.linear.gather [hbm4b:s17+s0], $0x10, $0x38;
	[tilespmem:$0x4A00] =	vst v63  }
0x85: {  	s13 =	sshrl.u32 s13, $0x3;
	s16 =	sshrl.u32 s8, $0x3;
	s8 =	sadd.s32 $0x7A1400, s8  }
0x86: {  	[tilespmem:s11], [sflag:$0x1] =	stream.linear.gather [hbm4b:s22+s0], $0x10, $0x38;
	[tilespmem:$0x4A00] =	vst v63  }
0x87: {  	s17 =	sor.u32 $0x3180, s3;
	s8 =	sshrl.u32 s8, $0x3;
	s11 =	sadd.s32 $0x30, s10  }
0x88: {  	[tilespmem:s17], [sflag:$0x1] =	stream.linear.gather [hbm4b:s11+s0], $0x10, $0x38;
	[tilespmem:$0x4A00] =	vst v63  }
0x89: {  	s11 =	sadd.s32 $0x40, s10;
	s17 =	sor.u32 $0x3200, s3  }
0x8a: {  	[tilespmem:s17], [sflag:$0x1] =	stream.linear.gather [hbm4b:s11+s0], $0x10, $0x38;
	[tilespmem:$0x4A00] =	vst v63  }
0x8b: {  	s11 =	sadd.s32 $0x50, s10;
	s17 =	sor.u32 $0x3280, s3  }
0x8c: {  	[tilespmem:s17], [sflag:$0x1] =	stream.linear.gather [hbm4b:s11+s0], $0x10, $0x38;
	[tilespmem:$0x4A00] =	vst v63  }
0x8d: {  	s11 =	sadd.s32 $0x60, s10;
	s17 =	sor.u32 $0x3300, s3;
	s3 =	sor.u32 $0x3380, s3  }
0x8e: {  	[tilespmem:s17], [sflag:$0x1] =	stream.linear.gather [hbm4b:s11+s0], $0x10, $0x38;
	[tilespmem:$0x4A00] =	vst v63  }
0x8f: {  	s10 =	sadd.s32 $0x70, s10;
	s11 =	sand.u32 $0x70, s7;
	s17 =	sand.u32 $0x400, s14  }
0x90: {  	[tilespmem:s3], [sflag:$0x1] =	stream.linear.gather [hbm4b:s10+s0], $0x10, $0x38;
	[tilespmem:$0x4A00] =	vst v63  }
0x91: {  	s3 =	sor.u32 s11, s17  }
0x92: {  	s10 =	sadd.s32 s1, s16;
	s11 =	sor.u32 $0x800, s3;
	s16 =	sor.u32 $0x880, s3  }
0x93: {  	[tilespmem:s11], [sflag:$0x1] =	stream.linear.gather [hbm4b:s10+s0], $0x10, $0x38;
	[tilespmem:$0x4A00] =	vst v63  }
0x94: {  	s17 =	sadd.s32 $0x10, s10;
	s18 =	sor.u32 $0x900, s3;
	s11 =	sadd.s32 $0x40, s10  }
0x95: {  	[tilespmem:s16], [sflag:$0x1] =	stream.linear.gather [hbm4b:s17+s0], $0x10, $0x38;
	[tilespmem:$0x4A00] =	vst v63  }
.Ltmp1:
0x96: {  	_ = 	snop;
	(pc) =	sbr.rel @p0 .LBB2_4-.Ltmp1, $4  }
0x97: {  	s16 =	sadd.s32 $0x20, s10;
	s17 =	sor.u32 $0x980, s3  }
0x98: {  	[tilespmem:s18], [sflag:$0x1] =	stream.linear.gather [hbm4b:s16+s0], $0x10, $0x38;
	[tilespmem:$0x4A00] =	vst v63  }
0x99: {  	s18 =	sadd.s32 $0x30, s10;
	s16 =	sor.u32 $0xA00, s3  }
0x9a: {  	[tilespmem:s17], [sflag:$0x1] =	stream.linear.gather [hbm4b:s18+s0], $0x10, $0x38;
	[tilespmem:$0x4A00] =	vst v63  }
0x9b: {  	[tilespmem:s16], [sflag:$0x1] =	stream.linear.gather [hbm4b:s11+s0], $0x10, $0x38;
	[tilespmem:$0x4A00] =	vst v63  }
0x9c: {  	s7 =	sadd.s32 $0x50, s10;
	s15 =	sor.u32 $0xA80, s3  }
0x9d: {  	[tilespmem:s15], [sflag:$0x1] =	stream.linear.gather [hbm4b:s7+s0], $0x10, $0x38;
	[tilespmem:$0x4A00] =	vst v63  }
0x9e: {  	s16 =	sor.u32 $0xB00, s3;
	s17 =	sadd.s32 $0x60, s10  }
0x9f: {  	[tilespmem:s16], [sflag:$0x1] =	stream.linear.gather [hbm4b:s17+s0], $0x10, $0x38;
	[tilespmem:$0x4A00] =	vst v63  }
0xa0: {  	s18 =	sor.u32 $0xB80, s3;
	s19 =	sadd.s32 $0x70, s10  }
0xa1: {  	[tilespmem:s18], [sflag:$0x1] =	stream.linear.gather [hbm4b:s19+s0], $0x10, $0x38;
	[tilespmem:$0x4A00] =	vst v63  }
0xa2: {  	s20 =	sor.u32 $0x2800, s3;
	s9 =	sadd.s32 s2, s9  }
0xa3: {  	[tilespmem:s20], [sflag:$0x1] =	stream.linear.gather [hbm4b:s9+s0], $0x10, $0x38;
	[tilespmem:$0x4A00] =	vst v63  }
0xa4: {  	s21 =	sor.u32 $0x2880, s3;
	s22 =	sadd.s32 $0x10, s9  }
0xa5: {  	[tilespmem:s21], [sflag:$0x1] =	stream.linear.gather [hbm4b:s22+s0], $0x10, $0x38;
	[tilespmem:$0x4A00] =	vst v63  }
0xa6: {  	s23 =	sor.u32 $0x2900, s3;
	s26 =	sadd.s32 $0x20, s9  }
0xa7: {  	[tilespmem:s23], [sflag:$0x1] =	stream.linear.gather [hbm4b:s26+s0], $0x10, $0x38;
	[tilespmem:$0x4A00] =	vst v63  }
0xa8: {  	s30 =	sor.u32 $0x2980, s3;
	s31 =	sadd.s32 $0x30, s9  }
0xa9: {  	[tilespmem:s30], [sflag:$0x1] =	stream.linear.gather [hbm4b:s31+s0], $0x10, $0x38;
	[tilespmem:$0x4A00] =	vst v63  }
0xaa: {  	s5 =	sor.u32 $0x2A00, s3;
	s6 =	sadd.s32 $0x40, s9  }
0xab: {  	[tilespmem:s5], [sflag:$0x1] =	stream.linear.gather [hbm4b:s6+s0], $0x10, $0x38;
	[tilespmem:$0x4A00] =	vst v63  }
0xac: {  	s10 =	sor.u32 $0x2A80, s3;
	s11 =	sadd.s32 $0x50, s9  }
0xad: {  	[tilespmem:s10], [sflag:$0x1] =	stream.linear.gather [hbm4b:s11+s0], $0x10, $0x38;
	[tilespmem:$0x4A00] =	vst v63  }
0xae: {  	s12 =	sor.u32 $0x2B00, s3;
	s14 =	sadd.s32 $0x60, s9  }
0xaf: {  	[tilespmem:s12], [sflag:$0x1] =	stream.linear.gather [hbm4b:s14+s0], $0x10, $0x38;
	[tilespmem:$0x4A00] =	vst v63  }
0xb0: {  	s15 =	sor.u32 $0x2B80, s3;
	s9 =	sadd.s32 $0x70, s9  }
0xb1: {  	[tilespmem:s15], [sflag:$0x1] =	stream.linear.gather [hbm4b:s9+s0], $0x10, $0x38;
	[tilespmem:$0x4A00] =	vst v63  }
0xb2: {  	s8 =	sadd.s32 s1, s8;
	s16 =	sor.u32 $0x1000, s3  }
0xb3: {  	[tilespmem:s16], [sflag:$0x1] =	stream.linear.gather [hbm4b:s8+s0], $0x10, $0x38;
	[tilespmem:$0x4A00] =	vst v63  }
0xb4: {  	s17 =	sor.u32 $0x1080, s3;
	s18 =	sadd.s32 $0x10, s8  }
0xb5: {  	[tilespmem:s17], [sflag:$0x1] =	stream.linear.gather [hbm4b:s18+s0], $0x10, $0x38;
	[tilespmem:$0x4A00] =	vst v63  }
0xb6: {  	s19 =	sor.u32 $0x1100, s3;
	s20 =	sadd.s32 $0x20, s8  }
0xb7: {  	[tilespmem:s19], [sflag:$0x1] =	stream.linear.gather [hbm4b:s20+s0], $0x10, $0x38;
	[tilespmem:$0x4A00] =	vst v63  }
0xb8: {  	s21 =	sor.u32 $0x1180, s3;
	s22 =	sadd.s32 $0x30, s8  }
0xb9: {  	[tilespmem:s21], [sflag:$0x1] =	stream.linear.gather [hbm4b:s22+s0], $0x10, $0x38;
	[tilespmem:$0x4A00] =	vst v63  }
0xba: {  	s23 =	sadd.s32 $0x40, s8;
	s26 =	sor.u32 $0x1200, s3  }
0xbb: {  	[tilespmem:s26], [sflag:$0x1] =	stream.linear.gather [hbm4b:s23+s0], $0x10, $0x38;
	[tilespmem:$0x4A00] =	vst v63  }
0xbc: {  	s30 =	sor.u32 $0x1280, s3;
	s31 =	sadd.s32 $0x50, s8  }
0xbd: {  	[tilespmem:s30], [sflag:$0x1] =	stream.linear.gather [hbm4b:s31+s0], $0x10, $0x38;
	[tilespmem:$0x4A00] =	vst v63  }
0xbe: {  	s5 =	sor.u32 $0x1300, s3;
	s6 =	sadd.s32 $0x60, s8  }
0xbf: {  	[tilespmem:s5], [sflag:$0x1] =	stream.linear.gather [hbm4b:s6+s0], $0x10, $0x38;
	[tilespmem:$0x4A00] =	vst v63  }
0xc0: {  	s10 =	sor.u32 $0x1380, s3;
	s8 =	sadd.s32 $0x70, s8  }
0xc1: {  	[tilespmem:s10], [sflag:$0x1] =	stream.linear.gather [hbm4b:s8+s0], $0x10, $0x38;
	[tilespmem:$0x4A00] =	vst v63  }
0xc2: {  	s11 =	sor.u32 $0x3000, s3;
	s12 =	sadd.s32 s2, s13  }
0xc3: {  	[tilespmem:s11], [sflag:$0x1] =	stream.linear.gather [hbm4b:s12+s0], $0x10, $0x38;
	[tilespmem:$0x4A00] =	vst v63  }
0xc4: {  	s13 =	sor.u32 $0x3080, s3;
	s14 =	sadd.s32 $0x10, s12  }
0xc5: {  	[tilespmem:s13], [sflag:$0x1] =	stream.linear.gather [hbm4b:s14+s0], $0x10, $0x38;
	[tilespmem:$0x4A00] =	vst v63  }
0xc6: {  	s15 =	sor.u32 $0x3100, s3;
	s16 =	sadd.s32 $0x20, s12  }
0xc7: {  	[tilespmem:s15], [sflag:$0x1] =	stream.linear.gather [hbm4b:s16+s0], $0x10, $0x38;
	[tilespmem:$0x4A00] =	vst v63  }
0xc8: {  	s17 =	sadd.s32 $0x30, s12;
	s18 =	sor.u32 $0x3180, s3  }
0xc9: {  	[tilespmem:s18], [sflag:$0x1] =	stream.linear.gather [hbm4b:s17+s0], $0x10, $0x38;
	[tilespmem:$0x4A00] =	vst v63  }
0xca: {  	s19 =	sadd.s32 $0x40, s12;
	s20 =	sor.u32 $0x3200, s3  }
0xcb: {  	[tilespmem:s20], [sflag:$0x1] =	stream.linear.gather [hbm4b:s19+s0], $0x10, $0x38;
	[tilespmem:$0x4A00] =	vst v63  }
0xcc: {  	s21 =	sadd.s32 $0x50, s12;
	s22 =	sor.u32 $0x3280, s3  }
0xcd: {  	[tilespmem:s22], [sflag:$0x1] =	stream.linear.gather [hbm4b:s21+s0], $0x10, $0x38;
	[tilespmem:$0x4A00] =	vst v63  }
0xce: {  	s23 =	sadd.s32 $0x60, s12;
	s26 =	sor.u32 $0x3300, s3  }
0xcf: {  	[tilespmem:s26], [sflag:$0x1] =	stream.linear.gather [hbm4b:s23+s0], $0x10, $0x38;
	[tilespmem:$0x4A00] =	vst v63  }
0xd0: {  	s30 =	sor.u32 $0x3380, s3;
	s31 =	sadd.s32 $0x70, s12  }
0xd1: {  	[tilespmem:s30], [sflag:$0x1] =	stream.linear.gather [hbm4b:s31+s0], $0x10, $0x38;
	[tilespmem:$0x4A00] =	vst v63  }
.LBB2_6:
0xd2: {  	s3 =	sshll.u32 s0, $0x5  }
0xd3: {  	s7 =	sshll.u32 s0, $0x6;
	s16 =	sand.u32 $0x60, s3  }
0xd4: {  	s18 =	sand.u32 $0x300, s7;
	s12 =	sor.u32 $0x10, s16  }
0xd5: {  	s13 =	sor.u32 s18, s12  }
0xd6: {  	v2 =	vld [tilespmem:s13+$0x80]  }
0xd7: {  	v3 =	vld [tilespmem:s13+$0x0]  }
0xd8: {  	s22 =	simm.s32 $0x0  }
0xd9: {  	v4 =	vmov s22  }
0xda: {  	vm0 =	veq.s32 v4, v0  }
0xdb: {  	v4 =	vnsel vm0, $0x0, v2  }
0xdc: {  	v5 =	vnsel vm0, $0x0, v3;
	(xrf0) =	vadd.scan.msk.s32 $0xffff, v4  }
0xdd: {  	(xrf0) =	vadd.scan.msk.s32 $0xffff, v5;
	_ =	sdelay $0x4  }
0xde: {  	v4, _, _ =	vpop (xrf0)  }
0xdf: {  	v5, _, _ =	vpop (xrf0);
	(v2sf) =	vpush v4, $0xF  }
0xe0: {  	(v2sf) =	vpush v5, $0xF;
	_ =	sdelay $0xc  }
0xe1: {  	s5 =	sand.u32 $0x70, s22;
	s11 =	sand.u32 $0x400, s22  }
0xe2: {  	s30 =	simm.s32 $0x1;
	s20 =	sor.u32 s5, s11;
	s31 =	spop (v2sf)  }
0xe3: {  	s15 =	sor.u32 $0x1800, s20;
	s23 =	sor.u32 $0x1900, s20;
	s8 =	spop (v2sf)  }
0xe4: {  	s10 =	sshll.u32 s31, $0x3;
	s7 =	sand.u32 $0x70, s31;
	s9 =	sshll.u32 s8, $0x3  }
0xe5: {  	s8 =	sand.u32 $0x70, s8;
	s6 =	sand.u32 $0xFFFFFC00, s10;
	s9 =	sand.u32 $0xFFFFFC00, s9  }
0xe6: {  	s26 =	sor.u32 $0x1980, s20;
	s7 =	sor.u32 s7, s6;
	s8 =	sor.u32 s8, s9  }
0xe7: {  	s14 =	sor.u32 $0x80, s13;
	s21 =	sadd.s32 $0x7A1400, s7;
	s17 =	sshrl.u32 s8, $0x3  }
0xe8: {  	s10 =	sshrl.u32 s7, $0x3;
	s8 =	sadd.s32 $0x7A1400, s8;
	s11 =	sadd.s32 s1, s17  }
0xe9: {  	[tilespmem:s15], [sflag:$0x2] =	stream.linear.gather [hbm4b:s11+s4], $0x10, $0x38;
	[tilespmem:$0x4A00] =	vst v63  }
0xea: {  	s7 =	sshrl.u32 s21, $0x3;
	s17 =	sor.u32 $0x1880, s20;
	s19 =	sadd.s32 $0x10, s11  }
0xeb: {  	[tilespmem:s17], [sflag:$0x2] =	stream.linear.gather [hbm4b:s19+s4], $0x10, $0x38;
	[tilespmem:$0x4A00] =	vst v63  }
0xec: {  	s9 =	sshrl.u32 s8, $0x3;
	s8 =	simm.s32 $0x0;
	s17 =	sadd.s32 $0x20, s11  }
0xed: {  	[tilespmem:s23], [sflag:$0x2] =	stream.linear.gather [hbm4b:s17+s4], $0x10, $0x38;
	[tilespmem:$0x4A00] =	vst v63  }
0xee: {  	s31 =	sadd.s32 $0x30, s11;
	s19 =	sor.u32 $0x1A00, s20;
	s17 =	sadd.s32 $0x40, s11  }
0xef: {  	[tilespmem:s26], [sflag:$0x2] =	stream.linear.gather [hbm4b:s31+s4], $0x10, $0x38;
	[tilespmem:$0x4A00] =	vst v63  }
.LBB2_7:
0xf0: {  	v4 =	vmov s30;
	p0 =	sne.s32 s30, $0xF;
	s30 =	sadd.s32 $0x1, s30  }
0xf1: {  	vm0 =	veq.s32 v4, v0;
	[tilespmem:s19], [sflag:$0x2] =	stream.linear.gather [hbm4b:s17+s4], $0x10, $0x38;
	[tilespmem:$0x4A00] =	vst v63  }
0xf2: {  	s21 =	sor.u32 $0x1B00, s20;
	s17 =	sadd.s32 $0x50, s11;
	s19 =	sor.u32 $0x1A80, s20;
	v4 =	vnsel vm0, $0x0, v3;
	v5 =	vnsel vm0, $0x0, v2  }
0xf3: {  	(xrf0) =	vadd.scan.msk.s32 $0xffff, v5  }
0xf4: {  	[tilespmem:s19], [sflag:$0x2] =	stream.linear.gather [hbm4b:s17+s4], $0x10, $0x38;
	[tilespmem:$0x4A00] =	vst v63  }
0xf5: {  	s17 =	sadd.s32 $0x60, s11;
	s19 =	sor.u32 $0x1B80, s20;
	(xrf0) =	vadd.scan.msk.s32 $0xffff, v4  }
0xf6: {  	[tilespmem:s21], [sflag:$0x2] =	stream.linear.gather [hbm4b:s17+s4], $0x10, $0x38;
	[tilespmem:$0x4A00] =	vst v63  }
0xf7: {  	s11 =	sadd.s32 $0x70, s11;
	s17 =	sor.u32 $0x3800, s20  }
0xf8: {  	[tilespmem:s19], [sflag:$0x2] =	stream.linear.gather [hbm4b:s11+s4], $0x10, $0x38;
	[tilespmem:$0x4A00] =	vst v63  }
0xf9: {  	s10 =	sadd.s32 s2, s10;
	s11 =	sor.u32 $0x3880, s20  }
0xfa: {  	v4, _, _ =	vpop (xrf0);
	[tilespmem:s17], [sflag:$0x2] =	stream.linear.gather [hbm4b:s10+s4], $0x10, $0x38;
	[tilespmem:$0x4A00] =	vst v63  }
0xfb: {  	s19 =	sor.u32 $0x3900, s20;
	s17 =	sadd.s32 $0x10, s10;
	v5, _, _ =	vpop (xrf0)  }
0xfc: {  	[tilespmem:s11], [sflag:$0x2] =	stream.linear.gather [hbm4b:s17+s4], $0x10, $0x38;
	[tilespmem:$0x4A00] =	vst v63  }
0xfd: {  	s11 =	sadd.s32 $0x20, s10;
	s17 =	sor.u32 $0x3980, s20  }
0xfe: {  	[tilespmem:s19], [sflag:$0x2] =	stream.linear.gather [hbm4b:s11+s4], $0x10, $0x38;
	[tilespmem:$0x4A00] =	vst v63  }
0xff: {  	s22 =	sadd.s32 $0x10, s22;
	s11 =	sadd.s32 $0x30, s10;
	s19 =	sor.u32 $0x3A00, s20  }
0x100: {  	[tilespmem:s17], [sflag:$0x2] =	stream.linear.gather [hbm4b:s11+s4], $0x10, $0x38;
	[tilespmem:$0x4A00] =	vst v63  }
0x101: {  	s8 =	sadd.s32 $0x80, s8;
	s21 =	sor.u32 $0x3A80, s20;
	s11 =	sadd.s32 $0x40, s10  }
0x102: {  	(v2sf) =	vpush v4, $0xF;
	[tilespmem:s19], [sflag:$0x2] =	stream.linear.gather [hbm4b:s11+s4], $0x10, $0x38;
	[tilespmem:$0x4A00] =	vst v63  }
0x103: {  	s5 =	sor.u32 $0x3B00, s20;
	s17 =	sor.u32 $0x4100, s20;
	s11 =	sadd.s32 $0x50, s10  }
0x104: {  	[tilespmem:s21], [sflag:$0x2] =	stream.linear.gather [hbm4b:s11+s4], $0x10, $0x38;
	[tilespmem:$0x4A00] =	vst v63  }
0x105: {  	s19 =	sor.u32 $0x4080, s20;
	s11 =	sadd.s32 $0x60, s10;
	s21 =	sor.u32 $0x3B80, s20  }
0x106: {  	(v2sf) =	vpush v5, $0xF;
	[tilespmem:s5], [sflag:$0x2] =	stream.linear.gather [hbm4b:s11+s4], $0x10, $0x38;
	[tilespmem:$0x4A00] =	vst v63  }
0x107: {  	s6 =	sor.u32 $0x4000, s20;
	s5 =	sadd.s32 $0x70, s10;
	s10 =	sor.u32 $0x2000, s20  }
0x108: {  	[tilespmem:s21], [sflag:$0x2] =	stream.linear.gather [hbm4b:s5+s4], $0x10, $0x38;
	[tilespmem:$0x4A00] =	vst v63  }
0x109: {  	s5 =	sadd.s32 s1, s9;
	s9 =	sor.u32 $0x2080, s20;
	s21 =	sor.u32 $0x2280, s20  }
0x10a: {  	[tilespmem:s10], [sflag:$0x2] =	stream.linear.gather [hbm4b:s5+s4], $0x10, $0x38;
	[tilespmem:$0x4A00] =	vst v63  }
0x10b: {  	s15 =	sor.u32 $0x2100, s20;
	s11 =	sadd.s32 s2, s7;
	s10 =	sadd.s32 $0x10, s5  }
0x10c: {  	[tilespmem:s9], [sflag:$0x2] =	stream.linear.gather [hbm4b:s10+s4], $0x10, $0x38;
	[tilespmem:$0x4A00] =	vst v63  }
0x10d: {  	s7 =	sadd.s32 $0x20, s5;
	s9 =	sor.u32 $0x2180, s20;
	s10 =	sor.u32 $0x2380, s20  }
0x10e: {  	[tilespmem:s15], [sflag:$0x2] =	stream.linear.gather [hbm4b:s7+s4], $0x10, $0x38;
	[tilespmem:$0x4A00] =	vst v63  }
0x10f: {  	s31 =	sadd.s32 $0x20, s11;
	s7 =	sadd.s32 $0x30, s5;
	s15 =	sor.u32 $0x2300, s20  }
0x110: {  	[tilespmem:s9], [sflag:$0x2] =	stream.linear.gather [hbm4b:s7+s4], $0x10, $0x38;
	[tilespmem:$0x4A00] =	vst v63  }
0x111: {  	s23 =	sor.u32 $0x2200, s20;
	s9 =	sadd.s32 $0x40, s5;
	s7 =	spop (v2sf)  }
0x112: {  	[tilespmem:s23], [sflag:$0x2] =	stream.linear.gather [hbm4b:s9+s4], $0x10, $0x38;
	[tilespmem:$0x4A00] =	vst v63  }
0x113: {  	s26 =	sadd.s32 $0x60, s5;
	s9 =	sshll.u32 s7, $0x3;
	s23 =	sadd.s32 $0x50, s5  }
0x114: {  	[tilespmem:s21], [sflag:$0x2] =	stream.linear.gather [hbm4b:s23+s4], $0x10, $0x38;
	[tilespmem:$0x4A00] =	vst v63  }
0x115: {  	s7 =	sand.u32 $0x70, s7;
	s9 =	sand.u32 $0xFFFFFC00, s9;
	s21 =	spop (v2sf)  }
0x116: {  	[tilespmem:s15], [sflag:$0x2] =	stream.linear.gather [hbm4b:s26+s4], $0x10, $0x38;
	[tilespmem:$0x4A00] =	vst v63  }
0x117: {  	s5 =	sadd.s32 $0x70, s5;
	s7 =	sor.u32 s7, s9;
	s15 =	sshll.u32 s21, $0x3  }
0x118: {  	[tilespmem:s10], [sflag:$0x2] =	stream.linear.gather [hbm4b:s5+s4], $0x10, $0x38;
	[tilespmem:$0x4A00] =	vst v63  }
0x119: {  	s9 =	sand.u32 $0xFFFFFC00, s15;
	s5 =	sand.u32 $0x70, s21;
	s10 =	sshrl.u32 s7, $0x3  }
0x11a: {  	[tilespmem:s6], [sflag:$0x2] =	stream.linear.gather [hbm4b:s11+s4], $0x10, $0x38;
	[tilespmem:$0x4A00] =	vst v63  }
0x11b: {  	s5 =	sor.u32 s5, s9;
	s6 =	sadd.s32 $0x7A1400, s7;
	s7 =	sadd.s32 $0x10, s11  }
0x11c: {  	[tilespmem:s19], [sflag:$0x2] =	stream.linear.gather [hbm4b:s7+s4], $0x10, $0x38;
	[tilespmem:$0x4A00] =	vst v63  }
0x11d: {  	s15 =	sshrl.u32 s5, $0x3;
	s5 =	sadd.s32 $0x7A1400, s5;
	s7 =	sshrl.u32 s6, $0x3  }
0x11e: {  	[tilespmem:s17], [sflag:$0x2] =	stream.linear.gather [hbm4b:s31+s4], $0x10, $0x38;
	[tilespmem:$0x4A00] =	vst v63  }
0x11f: {  	s9 =	sshrl.u32 s5, $0x3;
	s5 =	sadd.s32 $0x30, s11;
	s6 =	sor.u32 $0x4180, s20  }
0x120: {  	[tilespmem:s6], [sflag:$0x2] =	stream.linear.gather [hbm4b:s5+s4], $0x10, $0x38;
	[tilespmem:$0x4A00] =	vst v63  }
0x121: {  	s5 =	sadd.s32 $0x40, s11;
	s6 =	sor.u32 $0x4200, s20  }
0x122: {  	[tilespmem:s6], [sflag:$0x2] =	stream.linear.gather [hbm4b:s5+s4], $0x10, $0x38;
	[tilespmem:$0x4A00] =	vst v63  }
0x123: {  	s5 =	sadd.s32 $0x50, s11;
	s6 =	sor.u32 $0x4280, s20  }
0x124: {  	[tilespmem:s6], [sflag:$0x2] =	stream.linear.gather [hbm4b:s5+s4], $0x10, $0x38;
	[tilespmem:$0x4A00] =	vst v63  }
0x125: {  	s17 =	sor.u32 $0x4380, s20;
	s5 =	sadd.s32 $0x60, s11;
	s6 =	sor.u32 $0x4300, s20  }
0x126: {  	[tilespmem:s6], [sflag:$0x2] =	stream.linear.gather [hbm4b:s5+s4], $0x10, $0x38;
	[tilespmem:$0x4A00] =	vst v63  }
0x127: {  	s11 =	sadd.s32 $0x70, s11;
	s5 =	sand.u32 $0x70, s22;
	s6 =	sand.u32 $0x400, s8  }
0x128: {  	[tilespmem:s17], [sflag:$0x2] =	stream.linear.gather [hbm4b:s11+s4], $0x10, $0x38;
	[tilespmem:$0x4A00] =	vst v63  }
0x129: {  	s20 =	sor.u32 s5, s6  }
0x12a: {  	s5 =	sor.u32 $0x1800, s20;
	s11 =	sadd.s32 s1, s15;
	s6 =	sor.u32 $0x1880, s20  }
0x12b: {  	[tilespmem:s5], [sflag:$0x2] =	stream.linear.gather [hbm4b:s11+s4], $0x10, $0x38;
	[tilespmem:$0x4A00] =	vst v63  }
0x12c: {  	s15 =	sor.u32 $0x1900, s20;
	s17 =	sadd.s32 $0x40, s11;
	s5 =	sadd.s32 $0x10, s11  }
0x12d: {  	[tilespmem:s6], [sflag:$0x2] =	stream.linear.gather [hbm4b:s5+s4], $0x10, $0x38;
	[tilespmem:$0x4A00] =	vst v63  }
.Ltmp2:
0x12e: {  	_ = 	snop;
	(pc) =	sbr.rel @p0 .LBB2_7-.Ltmp2, $4  }
0x12f: {  	s5 =	sadd.s32 $0x20, s11;
	s6 =	sor.u32 $0x1980, s20  }
0x130: {  	[tilespmem:s15], [sflag:$0x2] =	stream.linear.gather [hbm4b:s5+s4], $0x10, $0x38;
	[tilespmem:$0x4A00] =	vst v63  }
0x131: {  	s19 =	sor.u32 $0x1A00, s20;
	s5 =	sadd.s32 $0x30, s11  }
0x132: {  	[tilespmem:s6], [sflag:$0x2] =	stream.linear.gather [hbm4b:s5+s4], $0x10, $0x38;
	[tilespmem:$0x4A00] =	vst v63  }
0x133: {  	[tilespmem:s19], [sflag:$0x2] =	stream.linear.gather [hbm4b:s17+s4], $0x10, $0x38;
	[tilespmem:$0x4A00] =	vst v63  }
0x134: {  	s5 =	sadd.s32 $0x50, s11;
	s6 =	sor.u32 $0x1A80, s20  }
0x135: {  	[tilespmem:s6], [sflag:$0x2] =	stream.linear.gather [hbm4b:s5+s4], $0x10, $0x38;
	[tilespmem:$0x4A00] =	vst v63  }
0x136: {  	s30 =	sor.u32 $0x1B00, s20;
	s31 =	sadd.s32 $0x60, s11  }
0x137: {  	[tilespmem:s30], [sflag:$0x2] =	stream.linear.gather [hbm4b:s31+s4], $0x10, $0x38;
	[tilespmem:$0x4A00] =	vst v63  }
0x138: {  	s8 =	sor.u32 $0x1B80, s20;
	s15 =	sadd.s32 $0x70, s11  }
0x139: {  	[tilespmem:s8], [sflag:$0x2] =	stream.linear.gather [hbm4b:s15+s4], $0x10, $0x38;
	[tilespmem:$0x4A00] =	vst v63  }
0x13a: {  	s17 =	sor.u32 $0x3800, s20;
	s6 =	sadd.s32 s2, s10  }
0x13b: {  	[tilespmem:s17], [sflag:$0x2] =	stream.linear.gather [hbm4b:s6+s4], $0x10, $0x38;
	[tilespmem:$0x4A00] =	vst v63  }
0x13c: {  	s19 =	sor.u32 $0x3880, s20;
	s8 =	sadd.s32 $0x10, s6  }
0x13d: {  	[tilespmem:s19], [sflag:$0x2] =	stream.linear.gather [hbm4b:s8+s4], $0x10, $0x38;
	[tilespmem:$0x4A00] =	vst v63  }
0x13e: {  	s21 =	sor.u32 $0x3900, s20;
	s22 =	sadd.s32 $0x20, s6  }
0x13f: {  	[tilespmem:s21], [sflag:$0x2] =	stream.linear.gather [hbm4b:s22+s4], $0x10, $0x38;
	[tilespmem:$0x4A00] =	vst v63  }
0x140: {  	s23 =	sor.u32 $0x3980, s20;
	s26 =	sadd.s32 $0x30, s6  }
0x141: {  	[tilespmem:s23], [sflag:$0x2] =	stream.linear.gather [hbm4b:s26+s4], $0x10, $0x38;
	[tilespmem:$0x4A00] =	vst v63  }
0x142: {  	s30 =	sor.u32 $0x3A00, s20;
	s31 =	sadd.s32 $0x40, s6  }
0x143: {  	[tilespmem:s30], [sflag:$0x2] =	stream.linear.gather [hbm4b:s31+s4], $0x10, $0x38;
	[tilespmem:$0x4A00] =	vst v63  }
0x144: {  	s10 =	sadd.s32 $0x50, s6;
	s8 =	sor.u32 $0x3A80, s20  }
0x145: {  	[tilespmem:s8], [sflag:$0x2] =	stream.linear.gather [hbm4b:s10+s4], $0x10, $0x38;
	[tilespmem:$0x4A00] =	vst v63  }
0x146: {  	s11 =	sor.u32 $0x3B00, s20;
	s15 =	sadd.s32 $0x60, s6  }
0x147: {  	[tilespmem:s11], [sflag:$0x2] =	stream.linear.gather [hbm4b:s15+s4], $0x10, $0x38;
	[tilespmem:$0x4A00] =	vst v63  }
0x148: {  	s17 =	sor.u32 $0x3B80, s20;
	s6 =	sadd.s32 $0x70, s6  }
0x149: {  	[tilespmem:s17], [sflag:$0x2] =	stream.linear.gather [hbm4b:s6+s4], $0x10, $0x38;
	[tilespmem:$0x4A00] =	vst v63  }
0x14a: {  	s19 =	sor.u32 $0x2000, s20;
	s6 =	sadd.s32 s1, s9  }
0x14b: {  	[tilespmem:s19], [sflag:$0x2] =	stream.linear.gather [hbm4b:s6+s4], $0x10, $0x38;
	[tilespmem:$0x4A00] =	vst v63  }
0x14c: {  	s21 =	sor.u32 $0x2080, s20;
	s22 =	sadd.s32 $0x10, s6  }
0x14d: {  	[tilespmem:s21], [sflag:$0x2] =	stream.linear.gather [hbm4b:s22+s4], $0x10, $0x38;
	[tilespmem:$0x4A00] =	vst v63  }
0x14e: {  	s23 =	sor.u32 $0x2100, s20;
	s26 =	sadd.s32 $0x20, s6  }
0x14f: {  	[tilespmem:s23], [sflag:$0x2] =	stream.linear.gather [hbm4b:s26+s4], $0x10, $0x38;
	[tilespmem:$0x4A00] =	vst v63  }
0x150: {  	s30 =	sor.u32 $0x2180, s20;
	s31 =	sadd.s32 $0x30, s6  }
0x151: {  	[tilespmem:s30], [sflag:$0x2] =	stream.linear.gather [hbm4b:s31+s4], $0x10, $0x38;
	[tilespmem:$0x4A00] =	vst v63  }
0x152: {  	s10 =	sor.u32 $0x2200, s20;
	s9 =	sadd.s32 $0x40, s6  }
0x153: {  	[tilespmem:s10], [sflag:$0x2] =	stream.linear.gather [hbm4b:s9+s4], $0x10, $0x38;
	[tilespmem:$0x4A00] =	vst v63  }
0x154: {  	s11 =	sor.u32 $0x2280, s20;
	s15 =	sadd.s32 $0x50, s6  }
0x155: {  	[tilespmem:s11], [sflag:$0x2] =	stream.linear.gather [hbm4b:s15+s4], $0x10, $0x38;
	[tilespmem:$0x4A00] =	vst v63  }
0x156: {  	s17 =	sor.u32 $0x2300, s20;
	s19 =	sadd.s32 $0x60, s6  }
0x157: {  	[tilespmem:s17], [sflag:$0x2] =	stream.linear.gather [hbm4b:s19+s4], $0x10, $0x38;
	[tilespmem:$0x4A00] =	vst v63  }
0x158: {  	s6 =	sadd.s32 $0x70, s6;
	s21 =	sor.u32 $0x2380, s20  }
0x159: {  	[tilespmem:s21], [sflag:$0x2] =	stream.linear.gather [hbm4b:s6+s4], $0x10, $0x38;
	[tilespmem:$0x4A00] =	vst v63  }
0x15a: {  	s22 =	sor.u32 $0x4000, s20;
	s23 =	sadd.s32 s2, s7  }
0x15b: {  	[tilespmem:s22], [sflag:$0x2] =	stream.linear.gather [hbm4b:s23+s4], $0x10, $0x38;
	[tilespmem:$0x4A00] =	vst v63  }
0x15c: {  	s26 =	sor.u32 $0x4080, s20;
	s7 =	sadd.s32 $0x10, s23  }
0x15d: {  	[tilespmem:s26], [sflag:$0x2] =	stream.linear.gather [hbm4b:s7+s4], $0x10, $0x38;
	[tilespmem:$0x4A00] =	vst v63  }
0x15e: {  	s30 =	sor.u32 $0x4100, s20;
	s31 =	sadd.s32 $0x20, s23  }
0x15f: {  	[tilespmem:s30], [sflag:$0x2] =	stream.linear.gather [hbm4b:s31+s4], $0x10, $0x38;
	[tilespmem:$0x4A00] =	vst v63  }
0x160: {  	s8 =	sor.u32 $0x4180, s20;
	s7 =	sadd.s32 $0x30, s23  }
0x161: {  	[tilespmem:s8], [sflag:$0x2] =	stream.linear.gather [hbm4b:s7+s4], $0x10, $0x38;
	[tilespmem:$0x4A00] =	vst v63  }
0x162: {  	s9 =	sadd.s32 $0x40, s23;
	s10 =	sor.u32 $0x4200, s20  }
0x163: {  	[tilespmem:s10], [sflag:$0x2] =	stream.linear.gather [hbm4b:s9+s4], $0x10, $0x38;
	[tilespmem:$0x4A00] =	vst v63  }
0x164: {  	s11 =	sadd.s32 $0x50, s23;
	s15 =	sor.u32 $0x4280, s20  }
0x165: {  	[tilespmem:s15], [sflag:$0x2] =	stream.linear.gather [hbm4b:s11+s4], $0x10, $0x38;
	[tilespmem:$0x4A00] =	vst v63  }
0x166: {  	s17 =	sadd.s32 $0x60, s23;
	s19 =	sor.u32 $0x4300, s20  }
0x167: {  	[tilespmem:s19], [sflag:$0x2] =	stream.linear.gather [hbm4b:s17+s4], $0x10, $0x38;
	[tilespmem:$0x4A00] =	vst v63  }
0x168: {  	s21 =	sor.u32 $0x4380, s20;
	s6 =	sadd.s32 $0x70, s23;
	s22 =	simm.s32 $0x1  }
0x169: {  	[tilespmem:s21], [sflag:$0x2] =	stream.linear.gather [hbm4b:s6+s4], $0x10, $0x38;
	[tilespmem:$0x4A00] =	vst v63  }
0x16a: {  	_ =	swait.ge [sflag:s22], $0x1000  }
0x16b: {  	[sflag:s22] =	ssyncset.done $0x0  }
0x16c: {  	[sflag:s22] =	ssyncadd.s32 $0xFFFFF000  }
0x16d: {  	_ =	swait.ge [sflag:s22], $0x1000  }
0x16e: {  	[sflag:s22] =	ssyncset.done $0x0  }
0x16f: {  	s23 =	sadd.s32 s16, s18;
	[sflag:s22] =	ssyncadd.s32 $0xFFFFF000  }
0x170: {  	v2 =	vld [tilespmem:s23+$0x400];
	_ =	sdelay $0x2  }
0x171: {  	v3 =	vld [tilespmem:s23+$0x480];
	_ =	sdelay $0x1  }
0x172: {  	v2 =	vadd.s32 v1, v2  }
0x173: {  	v4 =	vshll.u32 v2, $0x3  }
0x174: {  	s26 =	simm.s32 $0x0;
	v2 =	vand.u32 $0x7F, v2;
	v4 =	vand.u32 $0xFFFFFC00, v4  }
0x175: {  	v3 =	vadd.s32 v1, v3;
	v2 =	vor.u32 v2, v4;
	v4 =	vmov s26  }
0x176: {  	v5 =	vand.u32 $0x7F, v3;
	v3 =	vshll.u32 v3, $0x3;
	v6 =	vshll.u32 v4, $0x8  }
0x177: {  	v3 =	vand.u32 $0xFFFFFC00, v3;
	v4 =	vshll.u32 v4, $0x7;
	v6 =	vand.u32 $0x800, v6  }
0x178: {  	v3 =	vor.u32 v5, v3;
	v4 =	vand.u32 $0x380, v4;
	v5 =	vadd.s32 v2, v6  }
0x179: {  	v6 =	vadd.s32 v3, v6;
	v5 =	vor.u32 v4, v5  }
0x17a: {  	s30 =	simm.s32 $0x1;
	v4 =	vor.u32 v4, v6  }
0x17b: {  	v6 =	vmov s30  }
0x17c: {  	v7 =	vshll.u32 v6, $0x8  }
0x17d: {  	v6 =	vshll.u32 v6, $0x7;
	v7 =	vand.u32 $0x800, v7  }
0x17e: {  	v6 =	vand.u32 $0x380, v6;
	v8 =	vadd.s32 v2, v7;
	v9 =	vld.idx.msk [tilespmem:v5+s24+$0x0], $0xffff  }
0x17f: {  	s31 =	simm.s32 $0x2;
	v7 =	vadd.s32 v3, v7;
	v5 =	vor.u32 v6, v8;
	v8 =	vld.idx.msk [tilespmem:v4+s25+$0x0], $0xffff  }
0x180: {  	v6 =	vor.u32 v6, v7;
	v7 =	vmov s31  }
0x181: {  	v10 =	vshll.u32 v7, $0x8  }
0x182: {  	v7 =	vshll.u32 v7, $0x7;
	v10 =	vand.u32 $0x800, v10  }
0x183: {  	v11 =	vand.u32 $0x380, v7;
	v7 =	vadd.s32 v2, v10  }
0x184: {  	v10 =	vadd.s32 v3, v10;
	v7 =	vor.u32 v11, v7;
	v5 =	vld.idx.msk [tilespmem:v5+s24+$0x0], $0xffff;
	v9 =	vmul.f32 v8, v9  }
0x185: {  	s7 =	simm.s32 $0x3;
	v4 =	vimm.f32 $0.0e+00;
	v6 =	vld.idx.msk [tilespmem:v6+s25+$0x0], $0xffff;
	v8 =	vor.u32 v11, v10  }
.LBB2_9:
0x186: {  	v10 =	vmov s7;
	v4 =	vadd.f32 v9, v4;
	p0 =	sne.s32 s7, $0xF  }
.Ltmp3:
0x187: {  	s7 =	sadd.s32 $0x1, s7;
	v9 =	vshll.u32 v10, $0x8;
	(pc) =	sbr.rel @p0 .LBB2_9-.Ltmp3, $4  }
0x188: {  	v10 =	vshll.u32 v10, $0x7;
	v9 =	vand.u32 $0x800, v9  }
0x189: {  	v10 =	vand.u32 $0x380, v10;
	v12 =	vmov v5;
	v11 =	vadd.s32 v2, v9;
	v5 =	vld.idx.msk [tilespmem:v7+s24+$0x0], $0xffff  }
0x18a: {  	v7 =	vor.u32 v10, v11;
	v11 =	vadd.s32 v3, v9;
	v9 =	vmul.f32 v6, v12;
	v6 =	vld.idx.msk [tilespmem:v8+s25+$0x0], $0xffff  }
0x18b: {  	v8 =	vor.u32 v10, v11  }
0x18c: {  	_ =	sdelay $0x3  }
0x18d: {  	v2 =	vld.idx.msk [tilespmem:v7+s24+$0x0], $0xffff  }
0x18e: {  	v3 =	vld.idx.msk [tilespmem:v8+s25+$0x0], $0xffff;
	_ =	sdelay $0x2  }
0x18f: {  	v4 =	vadd.f32 v9, v4;
	v5 =	vmul.f32 v6, v5;
	_ =	sdelay $0x1  }
0x190: {  	v4 =	vadd.f32 v5, v4;
	v2 =	vmul.f32 v3, v2;
	_ =	sdelay $0x1  }
0x191: {  	v2 =	vadd.f32 v2, v4;
	_ =	sdelay $0x1  }
0x192: {  	v2 =	vsub.f32 $0.0e+00, v2;
	_ =	sdelay $0x1  }
0x193: {  	v2 =	vmul.f32 $1.442695020e+00, v2;
	_ =	sdelay $0x1  }
0x194: {  	(erf) = vpow2.f32 v2;
	_ =	sdelay $0x8  }
0x195: {  	v2 =	vpop (erf)  }
0x196: {  	v2 =	vadd.f32 $1.000000000e+00, v2;
	_ =	sdelay $0x1  }
0x197: {  	(erf) = vrcp.f32 v2;
	_ =	sdelay $0x6  }
0x198: {  	s5 =	sadd.s32 $0x20, s3  }
0x199: {  	s6 =	sshll.u32 s5, $0x1  }
0x19a: {  	s5 =	sand.u32 $0x60, s5;
	s6 =	sand.u32 $0x700, s6;
	v2 =	vpop (erf)  }
0x19b: {  	s5 =	sor.u32 s5, s6;
	[tilespmem:s3+$0x4800] =	vst v2  }
0x19c: {  	v2 =	vld [tilespmem:s5+$0x80]  }
0x19d: {  	v3 =	vld [tilespmem:s5+$0x0]  }
0x19e: {  	s18 =	simm.s32 $0x0  }
0x19f: {  	v4 =	vmov s18  }
0x1a0: {  	vm0 =	veq.s32 v4, v0  }
0x1a1: {  	v4 =	vnsel vm0, $0x0, v2  }
0x1a2: {  	v5 =	vnsel vm0, $0x0, v3;
	(xrf0) =	vadd.scan.msk.s32 $0xffff, v4  }
0x1a3: {  	(xrf0) =	vadd.scan.msk.s32 $0xffff, v5;
	_ =	sdelay $0x4  }
0x1a4: {  	v4, _, _ =	vpop (xrf0)  }
0x1a5: {  	v5, _, _ =	vpop (xrf0);
	(v2sf) =	vpush v4, $0xF  }
0x1a6: {  	(v2sf) =	vpush v5, $0xF;
	_ =	sdelay $0xc  }
0x1a7: {  	s11 =	sand.u32 $0x70, s18;
	s9 =	sand.u32 $0x400, s18  }
0x1a8: {  	s16 =	sor.u32 s11, s9;
	s31 =	spop (v2sf)  }
0x1a9: {  	s20 =	simm.s32 $0x1;
	s17 =	sor.u32 $0x800, s16;
	s10 =	spop (v2sf)  }
0x1aa: {  	s19 =	sor.u32 $0x880, s16;
	s23 =	sor.u32 $0x900, s16;
	s7 =	sshll.u32 s10, $0x3  }
0x1ab: {  	s8 =	sshll.u32 s31, $0x3;
	s6 =	sand.u32 $0x70, s10;
	s7 =	sand.u32 $0xFFFFFC00, s7  }
0x1ac: {  	s5 =	sand.u32 $0x70, s31;
	s15 =	sand.u32 $0xFFFFFC00, s8;
	s6 =	sor.u32 s6, s7  }
0x1ad: {  	s30 =	sor.u32 $0x980, s16;
	s5 =	sor.u32 s5, s15;
	s10 =	sshrl.u32 s6, $0x3  }
0x1ae: {  	s8 =	simm.s32 $0x0;
	s22 =	sadd.s32 $0x7A1400, s5;
	s11 =	sadd.s32 s1, s10  }
0x1af: {  	[tilespmem:s17], [sflag:$0x1] =	stream.linear.gather [hbm4b:s11+s4], $0x10, $0x38;
	[tilespmem:$0x4A00] =	vst v63  }
0x1b0: {  	s6 =	sadd.s32 $0x7A1400, s6;
	s7 =	sshrl.u32 s22, $0x3;
	s21 =	sadd.s32 $0x10, s11  }
0x1b1: {  	[tilespmem:s19], [sflag:$0x1] =	stream.linear.gather [hbm4b:s21+s4], $0x10, $0x38;
	[tilespmem:$0x4A00] =	vst v63  }
0x1b2: {  	s10 =	sshrl.u32 s5, $0x3;
	s9 =	sshrl.u32 s6, $0x3;
	s26 =	sadd.s32 $0x20, s11  }
0x1b3: {  	[tilespmem:s23], [sflag:$0x1] =	stream.linear.gather [hbm4b:s26+s4], $0x10, $0x38;
	[tilespmem:$0x4A00] =	vst v63  }
0x1b4: {  	s31 =	sadd.s32 $0x30, s11;
	s17 =	sadd.s32 $0x40, s11;
	s19 =	sor.u32 $0xA00, s16  }
0x1b5: {  	[tilespmem:s30], [sflag:$0x1] =	stream.linear.gather [hbm4b:s31+s4], $0x10, $0x38;
	[tilespmem:$0x4A00] =	vst v63  }
.LBB2_11:
0x1b6: {  	v4 =	vmov s20;
	p0 =	sne.s32 s20, $0xF;
	s20 =	sadd.s32 $0x1, s20  }
0x1b7: {  	vm0 =	veq.s32 v4, v0;
	[tilespmem:s19], [sflag:$0x1] =	stream.linear.gather [hbm4b:s17+s4], $0x10, $0x38;
	[tilespmem:$0x4A00] =	vst v63  }
0x1b8: {  	s5 =	sadd.s32 $0x50, s11;
	s6 =	sor.u32 $0xA80, s16;
	s15 =	sor.u32 $0xB00, s16;
	v4 =	vnsel vm0, $0x0, v3;
	v5 =	vnsel vm0, $0x0, v2  }
0x1b9: {  	(xrf0) =	vadd.scan.msk.s32 $0xffff, v5  }
0x1ba: {  	[tilespmem:s6], [sflag:$0x1] =	stream.linear.gather [hbm4b:s5+s4], $0x10, $0x38;
	[tilespmem:$0x4A00] =	vst v63  }
0x1bb: {  	s5 =	sadd.s32 $0x60, s11;
	s6 =	sor.u32 $0xB80, s16;
	(xrf0) =	vadd.scan.msk.s32 $0xffff, v4  }
0x1bc: {  	[tilespmem:s15], [sflag:$0x1] =	stream.linear.gather [hbm4b:s5+s4], $0x10, $0x38;
	[tilespmem:$0x4A00] =	vst v63  }
0x1bd: {  	s5 =	sadd.s32 $0x70, s11;
	s11 =	sor.u32 $0x2800, s16  }
0x1be: {  	[tilespmem:s6], [sflag:$0x1] =	stream.linear.gather [hbm4b:s5+s4], $0x10, $0x38;
	[tilespmem:$0x4A00] =	vst v63  }
0x1bf: {  	s5 =	sadd.s32 s2, s10;
	s6 =	sor.u32 $0x2880, s16  }
0x1c0: {  	v4, _, _ =	vpop (xrf0);
	[tilespmem:s11], [sflag:$0x1] =	stream.linear.gather [hbm4b:s5+s4], $0x10, $0x38;
	[tilespmem:$0x4A00] =	vst v63  }
0x1c1: {  	s10 =	sadd.s32 $0x10, s5;
	s11 =	sor.u32 $0x2900, s16;
	v5, _, _ =	vpop (xrf0)  }
0x1c2: {  	[tilespmem:s6], [sflag:$0x1] =	stream.linear.gather [hbm4b:s10+s4], $0x10, $0x38;
	[tilespmem:$0x4A00] =	vst v63  }
0x1c3: {  	s6 =	sadd.s32 $0x20, s5;
	s10 =	sor.u32 $0x2980, s16  }
0x1c4: {  	[tilespmem:s11], [sflag:$0x1] =	stream.linear.gather [hbm4b:s6+s4], $0x10, $0x38;
	[tilespmem:$0x4A00] =	vst v63  }
0x1c5: {  	s18 =	sadd.s32 $0x10, s18;
	s6 =	sadd.s32 $0x30, s5;
	s11 =	sor.u32 $0x2A00, s16  }
0x1c6: {  	[tilespmem:s10], [sflag:$0x1] =	stream.linear.gather [hbm4b:s6+s4], $0x10, $0x38;
	[tilespmem:$0x4A00] =	vst v63  }
0x1c7: {  	s8 =	sadd.s32 $0x80, s8;
	s6 =	sadd.s32 $0x40, s5;
	s10 =	sor.u32 $0x2A80, s16  }
0x1c8: {  	(v2sf) =	vpush v4, $0xF;
	[tilespmem:s11], [sflag:$0x1] =	stream.linear.gather [hbm4b:s6+s4], $0x10, $0x38;
	[tilespmem:$0x4A00] =	vst v63  }
0x1c9: {  	s17 =	sor.u32 $0x3100, s16;
	s6 =	sadd.s32 $0x50, s5;
	s11 =	sor.u32 $0x2B00, s16  }
0x1ca: {  	[tilespmem:s10], [sflag:$0x1] =	stream.linear.gather [hbm4b:s6+s4], $0x10, $0x38;
	[tilespmem:$0x4A00] =	vst v63  }
0x1cb: {  	s19 =	sor.u32 $0x3080, s16;
	s6 =	sadd.s32 $0x60, s5;
	s10 =	sor.u32 $0x2B80, s16  }
0x1cc: {  	(v2sf) =	vpush v5, $0xF;
	[tilespmem:s11], [sflag:$0x1] =	stream.linear.gather [hbm4b:s6+s4], $0x10, $0x38;
	[tilespmem:$0x4A00] =	vst v63  }
0x1cd: {  	s15 =	sor.u32 $0x3000, s16;
	s5 =	sadd.s32 $0x70, s5;
	s6 =	sor.u32 $0x1000, s16  }
0x1ce: {  	[tilespmem:s10], [sflag:$0x1] =	stream.linear.gather [hbm4b:s5+s4], $0x10, $0x38;
	[tilespmem:$0x4A00] =	vst v63  }
0x1cf: {  	s5 =	sadd.s32 s1, s9;
	s9 =	sor.u32 $0x1080, s16;
	s10 =	sor.u32 $0x1280, s16  }
0x1d0: {  	[tilespmem:s6], [sflag:$0x1] =	stream.linear.gather [hbm4b:s5+s4], $0x10, $0x38;
	[tilespmem:$0x4A00] =	vst v63  }
0x1d1: {  	s21 =	sor.u32 $0x1100, s16;
	s11 =	sadd.s32 s2, s7;
	s6 =	sadd.s32 $0x10, s5  }
0x1d2: {  	[tilespmem:s9], [sflag:$0x1] =	stream.linear.gather [hbm4b:s6+s4], $0x10, $0x38;
	[tilespmem:$0x4A00] =	vst v63  }
0x1d3: {  	s7 =	sor.u32 $0x1180, s16;
	s6 =	sadd.s32 $0x20, s5;
	s9 =	sor.u32 $0x1380, s16  }
0x1d4: {  	[tilespmem:s21], [sflag:$0x1] =	stream.linear.gather [hbm4b:s6+s4], $0x10, $0x38;
	[tilespmem:$0x4A00] =	vst v63  }
0x1d5: {  	s22 =	sadd.s32 $0x20, s11;
	s6 =	sadd.s32 $0x30, s5;
	s21 =	sor.u32 $0x1300, s16  }
0x1d6: {  	[tilespmem:s7], [sflag:$0x1] =	stream.linear.gather [hbm4b:s6+s4], $0x10, $0x38;
	[tilespmem:$0x4A00] =	vst v63  }
0x1d7: {  	s23 =	sor.u32 $0x1200, s16;
	s7 =	sadd.s32 $0x40, s5;
	s6 =	spop (v2sf)  }
0x1d8: {  	[tilespmem:s23], [sflag:$0x1] =	stream.linear.gather [hbm4b:s7+s4], $0x10, $0x38;
	[tilespmem:$0x4A00] =	vst v63  }
0x1d9: {  	s26 =	sadd.s32 $0x60, s5;
	s7 =	sshll.u32 s6, $0x3;
	s23 =	sadd.s32 $0x50, s5  }
0x1da: {  	[tilespmem:s10], [sflag:$0x1] =	stream.linear.gather [hbm4b:s23+s4], $0x10, $0x38;
	[tilespmem:$0x4A00] =	vst v63  }
0x1db: {  	s6 =	sand.u32 $0x70, s6;
	s7 =	sand.u32 $0xFFFFFC00, s7;
	s10 =	spop (v2sf)  }
0x1dc: {  	[tilespmem:s21], [sflag:$0x1] =	stream.linear.gather [hbm4b:s26+s4], $0x10, $0x38;
	[tilespmem:$0x4A00] =	vst v63  }
0x1dd: {  	s5 =	sadd.s32 $0x70, s5;
	s6 =	sor.u32 s6, s7;
	s21 =	sshll.u32 s10, $0x3  }
0x1de: {  	[tilespmem:s9], [sflag:$0x1] =	stream.linear.gather [hbm4b:s5+s4], $0x10, $0x38;
	[tilespmem:$0x4A00] =	vst v63  }
0x1df: {  	s7 =	sand.u32 $0xFFFFFC00, s21;
	s5 =	sand.u32 $0x70, s10;
	s10 =	sshrl.u32 s6, $0x3  }
0x1e0: {  	[tilespmem:s15], [sflag:$0x1] =	stream.linear.gather [hbm4b:s11+s4], $0x10, $0x38;
	[tilespmem:$0x4A00] =	vst v63  }
0x1e1: {  	s6 =	sadd.s32 $0x7A1400, s6;
	s5 =	sor.u32 s5, s7;
	s7 =	sadd.s32 $0x10, s11  }
0x1e2: {  	[tilespmem:s19], [sflag:$0x1] =	stream.linear.gather [hbm4b:s7+s4], $0x10, $0x38;
	[tilespmem:$0x4A00] =	vst v63  }
0x1e3: {  	s15 =	sshrl.u32 s5, $0x3;
	s5 =	sadd.s32 $0x7A1400, s5;
	s7 =	sshrl.u32 s6, $0x3  }
0x1e4: {  	[tilespmem:s17], [sflag:$0x1] =	stream.linear.gather [hbm4b:s22+s4], $0x10, $0x38;
	[tilespmem:$0x4A00] =	vst v63  }
0x1e5: {  	s9 =	sshrl.u32 s5, $0x3;
	s5 =	sadd.s32 $0x30, s11;
	s6 =	sor.u32 $0x3180, s16  }
0x1e6: {  	[tilespmem:s6], [sflag:$0x1] =	stream.linear.gather [hbm4b:s5+s4], $0x10, $0x38;
	[tilespmem:$0x4A00] =	vst v63  }
0x1e7: {  	s5 =	sadd.s32 $0x40, s11;
	s6 =	sor.u32 $0x3200, s16  }
0x1e8: {  	[tilespmem:s6], [sflag:$0x1] =	stream.linear.gather [hbm4b:s5+s4], $0x10, $0x38;
	[tilespmem:$0x4A00] =	vst v63  }
0x1e9: {  	s5 =	sadd.s32 $0x50, s11;
	s6 =	sor.u32 $0x3280, s16  }
0x1ea: {  	[tilespmem:s6], [sflag:$0x1] =	stream.linear.gather [hbm4b:s5+s4], $0x10, $0x38;
	[tilespmem:$0x4A00] =	vst v63  }
0x1eb: {  	s5 =	sadd.s32 $0x60, s11;
	s6 =	sor.u32 $0x3300, s16;
	s16 =	sor.u32 $0x3380, s16  }
0x1ec: {  	[tilespmem:s6], [sflag:$0x1] =	stream.linear.gather [hbm4b:s5+s4], $0x10, $0x38;
	[tilespmem:$0x4A00] =	vst v63  }
0x1ed: {  	s11 =	sadd.s32 $0x70, s11;
	s5 =	sand.u32 $0x70, s18;
	s6 =	sand.u32 $0x400, s8  }
0x1ee: {  	[tilespmem:s16], [sflag:$0x1] =	stream.linear.gather [hbm4b:s11+s4], $0x10, $0x38;
	[tilespmem:$0x4A00] =	vst v63  }
0x1ef: {  	s16 =	sor.u32 s5, s6  }
0x1f0: {  	s11 =	sadd.s32 s1, s15;
	s5 =	sor.u32 $0x800, s16;
	s6 =	sor.u32 $0x880, s16  }
0x1f1: {  	[tilespmem:s5], [sflag:$0x1] =	stream.linear.gather [hbm4b:s11+s4], $0x10, $0x38;
	[tilespmem:$0x4A00] =	vst v63  }
0x1f2: {  	s15 =	sor.u32 $0x900, s16;
	s17 =	sadd.s32 $0x40, s11;
	s5 =	sadd.s32 $0x10, s11  }
0x1f3: {  	[tilespmem:s6], [sflag:$0x1] =	stream.linear.gather [hbm4b:s5+s4], $0x10, $0x38;
	[tilespmem:$0x4A00] =	vst v63  }
.Ltmp4:
0x1f4: {  	_ = 	snop;
	(pc) =	sbr.rel @p0 .LBB2_11-.Ltmp4, $4  }
0x1f5: {  	s5 =	sadd.s32 $0x20, s11;
	s6 =	sor.u32 $0x980, s16  }
0x1f6: {  	[tilespmem:s15], [sflag:$0x1] =	stream.linear.gather [hbm4b:s5+s4], $0x10, $0x38;
	[tilespmem:$0x4A00] =	vst v63  }
0x1f7: {  	s19 =	sor.u32 $0xA00, s16;
	s5 =	sadd.s32 $0x30, s11  }
0x1f8: {  	[tilespmem:s6], [sflag:$0x1] =	stream.linear.gather [hbm4b:s5+s4], $0x10, $0x38;
	[tilespmem:$0x4A00] =	vst v63  }
0x1f9: {  	[tilespmem:s19], [sflag:$0x1] =	stream.linear.gather [hbm4b:s17+s4], $0x10, $0x38;
	[tilespmem:$0x4A00] =	vst v63  }
0x1fa: {  	s5 =	sadd.s32 $0x50, s11;
	s6 =	sor.u32 $0xA80, s16  }
0x1fb: {  	[tilespmem:s6], [sflag:$0x1] =	stream.linear.gather [hbm4b:s5+s4], $0x10, $0x38;
	[tilespmem:$0x4A00] =	vst v63  }
0x1fc: {  	s18 =	sor.u32 $0xB00, s16;
	s19 =	sadd.s32 $0x60, s11  }
0x1fd: {  	[tilespmem:s18], [sflag:$0x1] =	stream.linear.gather [hbm4b:s19+s4], $0x10, $0x38;
	[tilespmem:$0x4A00] =	vst v63  }
0x1fe: {  	s20 =	sor.u32 $0xB80, s16;
	s21 =	sadd.s32 $0x70, s11  }
0x1ff: {  	[tilespmem:s20], [sflag:$0x1] =	stream.linear.gather [hbm4b:s21+s4], $0x10, $0x38;
	[tilespmem:$0x4A00] =	vst v63  }
0x200: {  	s22 =	sor.u32 $0x2800, s16;
	s23 =	sadd.s32 s2, s10  }
0x201: {  	[tilespmem:s22], [sflag:$0x1] =	stream.linear.gather [hbm4b:s23+s4], $0x10, $0x38;
	[tilespmem:$0x4A00] =	vst v63  }
0x202: {  	s26 =	sor.u32 $0x2880, s16;
	s8 =	sadd.s32 $0x10, s23  }
0x203: {  	[tilespmem:s26], [sflag:$0x1] =	stream.linear.gather [hbm4b:s8+s4], $0x10, $0x38;
	[tilespmem:$0x4A00] =	vst v63  }
0x204: {  	s30 =	sor.u32 $0x2900, s16;
	s31 =	sadd.s32 $0x20, s23  }
0x205: {  	[tilespmem:s30], [sflag:$0x1] =	stream.linear.gather [hbm4b:s31+s4], $0x10, $0x38;
	[tilespmem:$0x4A00] =	vst v63  }
0x206: {  	s10 =	sor.u32 $0x2980, s16;
	s11 =	sadd.s32 $0x30, s23  }
0x207: {  	[tilespmem:s10], [sflag:$0x1] =	stream.linear.gather [hbm4b:s11+s4], $0x10, $0x38;
	[tilespmem:$0x4A00] =	vst v63  }
0x208: {  	s15 =	sor.u32 $0x2A00, s16;
	s17 =	sadd.s32 $0x40, s23  }
0x209: {  	[tilespmem:s15], [sflag:$0x1] =	stream.linear.gather [hbm4b:s17+s4], $0x10, $0x38;
	[tilespmem:$0x4A00] =	vst v63  }
0x20a: {  	s18 =	sor.u32 $0x2A80, s16;
	s19 =	sadd.s32 $0x50, s23  }
0x20b: {  	[tilespmem:s18], [sflag:$0x1] =	stream.linear.gather [hbm4b:s19+s4], $0x10, $0x38;
	[tilespmem:$0x4A00] =	vst v63  }
0x20c: {  	s20 =	sor.u32 $0x2B00, s16;
	s21 =	sadd.s32 $0x60, s23  }
0x20d: {  	[tilespmem:s20], [sflag:$0x1] =	stream.linear.gather [hbm4b:s21+s4], $0x10, $0x38;
	[tilespmem:$0x4A00] =	vst v63  }
0x20e: {  	s6 =	sadd.s32 $0x70, s23;
	s22 =	sor.u32 $0x2B80, s16  }
0x20f: {  	[tilespmem:s22], [sflag:$0x1] =	stream.linear.gather [hbm4b:s6+s4], $0x10, $0x38;
	[tilespmem:$0x4A00] =	vst v63  }
0x210: {  	s23 =	sor.u32 $0x1000, s16;
	s26 =	sadd.s32 s1, s9  }
0x211: {  	[tilespmem:s23], [sflag:$0x1] =	stream.linear.gather [hbm4b:s26+s4], $0x10, $0x38;
	[tilespmem:$0x4A00] =	vst v63  }
0x212: {  	s30 =	sor.u32 $0x1080, s16;
	s31 =	sadd.s32 $0x10, s26  }
0x213: {  	[tilespmem:s30], [sflag:$0x1] =	stream.linear.gather [hbm4b:s31+s4], $0x10, $0x38;
	[tilespmem:$0x4A00] =	vst v63  }
0x214: {  	s9 =	sor.u32 $0x1100, s16;
	s10 =	sadd.s32 $0x20, s26  }
0x215: {  	[tilespmem:s9], [sflag:$0x1] =	stream.linear.gather [hbm4b:s10+s4], $0x10, $0x38;
	[tilespmem:$0x4A00] =	vst v63  }
0x216: {  	s11 =	sor.u32 $0x1180, s16;
	s15 =	sadd.s32 $0x30, s26  }
0x217: {  	[tilespmem:s11], [sflag:$0x1] =	stream.linear.gather [hbm4b:s15+s4], $0x10, $0x38;
	[tilespmem:$0x4A00] =	vst v63  }
0x218: {  	s17 =	sadd.s32 $0x40, s26;
	s18 =	sor.u32 $0x1200, s16  }
0x219: {  	[tilespmem:s18], [sflag:$0x1] =	stream.linear.gather [hbm4b:s17+s4], $0x10, $0x38;
	[tilespmem:$0x4A00] =	vst v63  }
0x21a: {  	s19 =	sor.u32 $0x1280, s16;
	s20 =	sadd.s32 $0x50, s26  }
0x21b: {  	[tilespmem:s19], [sflag:$0x1] =	stream.linear.gather [hbm4b:s20+s4], $0x10, $0x38;
	[tilespmem:$0x4A00] =	vst v63  }
0x21c: {  	s21 =	sor.u32 $0x1300, s16;
	s22 =	sadd.s32 $0x60, s26  }
0x21d: {  	[tilespmem:s21], [sflag:$0x1] =	stream.linear.gather [hbm4b:s22+s4], $0x10, $0x38;
	[tilespmem:$0x4A00] =	vst v63  }
0x21e: {  	s6 =	sadd.s32 $0x70, s26;
	s23 =	sor.u32 $0x1380, s16  }
0x21f: {  	[tilespmem:s23], [sflag:$0x1] =	stream.linear.gather [hbm4b:s6+s4], $0x10, $0x38;
	[tilespmem:$0x4A00] =	vst v63  }
0x220: {  	s26 =	sor.u32 $0x3000, s16;
	s30 =	sadd.s32 s2, s7  }
0x221: {  	[tilespmem:s26], [sflag:$0x1] =	stream.linear.gather [hbm4b:s30+s4], $0x10, $0x38;
	[tilespmem:$0x4A00] =	vst v63  }
0x222: {  	s31 =	sor.u32 $0x3080, s16;
	s7 =	sadd.s32 $0x10, s30  }
0x223: {  	[tilespmem:s31], [sflag:$0x1] =	stream.linear.gather [hbm4b:s7+s4], $0x10, $0x38;
	[tilespmem:$0x4A00] =	vst v63  }
0x224: {  	s8 =	sor.u32 $0x3100, s16;
	s9 =	sadd.s32 $0x20, s30  }
0x225: {  	[tilespmem:s8], [sflag:$0x1] =	stream.linear.gather [hbm4b:s9+s4], $0x10, $0x38;
	[tilespmem:$0x4A00] =	vst v63  }
0x226: {  	s10 =	sadd.s32 $0x30, s30;
	s11 =	sor.u32 $0x3180, s16  }
0x227: {  	[tilespmem:s11], [sflag:$0x1] =	stream.linear.gather [hbm4b:s10+s4], $0x10, $0x38;
	[tilespmem:$0x4A00] =	vst v63  }
0x228: {  	s15 =	sadd.s32 $0x40, s30;
	s17 =	sor.u32 $0x3200, s16  }
0x229: {  	[tilespmem:s17], [sflag:$0x1] =	stream.linear.gather [hbm4b:s15+s4], $0x10, $0x38;
	[tilespmem:$0x4A00] =	vst v63  }
0x22a: {  	s18 =	sadd.s32 $0x50, s30;
	s19 =	sor.u32 $0x3280, s16  }
0x22b: {  	[tilespmem:s19], [sflag:$0x1] =	stream.linear.gather [hbm4b:s18+s4], $0x10, $0x38;
	[tilespmem:$0x4A00] =	vst v63  }
0x22c: {  	s20 =	sadd.s32 $0x60, s30;
	s21 =	sor.u32 $0x3300, s16  }
0x22d: {  	[tilespmem:s21], [sflag:$0x1] =	stream.linear.gather [hbm4b:s20+s4], $0x10, $0x38;
	[tilespmem:$0x4A00] =	vst v63  }
0x22e: {  	s22 =	sor.u32 $0x3380, s16;
	s6 =	sadd.s32 $0x70, s30;
	s23 =	simm.s32 $0x2  }
0x22f: {  	[tilespmem:s22], [sflag:$0x1] =	stream.linear.gather [hbm4b:s6+s4], $0x10, $0x38;
	[tilespmem:$0x4A00] =	vst v63  }
0x230: {  	_ =	swait.ge [sflag:s23], $0x1000  }
0x231: {  	[sflag:s23] =	ssyncset.done $0x0  }
0x232: {  	[sflag:s23] =	ssyncadd.s32 $0xFFFFF000  }
0x233: {  	_ =	swait.ge [sflag:s23], $0x1000  }
0x234: {  	[sflag:s23] =	ssyncset.done $0x0  }
0x235: {  	[sflag:s23] =	ssyncadd.s32 $0xFFFFF000  }
0x236: {  	v2 =	vld [tilespmem:s13+$0x400];
	_ =	sdelay $0x2  }
0x237: {  	v3 =	vld [tilespmem:s14+$0x400];
	_ =	sdelay $0x1  }
0x238: {  	v2 =	vadd.s32 v1, v2  }
0x239: {  	v4 =	vshll.u32 v2, $0x3  }
0x23a: {  	s26 =	simm.s32 $0x0;
	v2 =	vand.u32 $0x7F, v2;
	v4 =	vand.u32 $0xFFFFFC00, v4  }
0x23b: {  	v3 =	vadd.s32 v1, v3;
	v2 =	vor.u32 v2, v4;
	v4 =	vmov s26  }
0x23c: {  	v5 =	vand.u32 $0x7F, v3;
	v3 =	vshll.u32 v3, $0x3;
	v6 =	vshll.u32 v4, $0x8  }
0x23d: {  	v3 =	vand.u32 $0xFFFFFC00, v3;
	v4 =	vshll.u32 v4, $0x7;
	v6 =	vand.u32 $0x800, v6  }
0x23e: {  	v3 =	vor.u32 v5, v3;
	v4 =	vand.u32 $0x380, v4;
	v5 =	vadd.s32 v2, v6  }
0x23f: {  	v6 =	vadd.s32 v3, v6;
	v5 =	vor.u32 v4, v5  }
0x240: {  	s30 =	simm.s32 $0x1;
	v4 =	vor.u32 v4, v6  }
0x241: {  	v6 =	vmov s30  }
0x242: {  	v7 =	vshll.u32 v6, $0x8  }
0x243: {  	v6 =	vshll.u32 v6, $0x7;
	v7 =	vand.u32 $0x800, v7  }
0x244: {  	v6 =	vand.u32 $0x380, v6;
	v8 =	vadd.s32 v2, v7;
	v9 =	vld.idx.msk [tilespmem:v5+s28+$0x0], $0xffff  }
0x245: {  	s31 =	simm.s32 $0x2;
	v7 =	vadd.s32 v3, v7;
	v5 =	vor.u32 v6, v8;
	v8 =	vld.idx.msk [tilespmem:v4+s29+$0x0], $0xffff  }
0x246: {  	v6 =	vor.u32 v6, v7;
	v7 =	vmov s31  }
0x247: {  	v10 =	vshll.u32 v7, $0x8  }
0x248: {  	v7 =	vshll.u32 v7, $0x7;
	v10 =	vand.u32 $0x800, v10  }
0x249: {  	v11 =	vand.u32 $0x380, v7;
	v7 =	vadd.s32 v2, v10  }
0x24a: {  	v10 =	vadd.s32 v3, v10;
	v7 =	vor.u32 v11, v7;
	v5 =	vld.idx.msk [tilespmem:v5+s28+$0x0], $0xffff;
	v9 =	vmul.f32 v8, v9  }
0x24b: {  	s7 =	simm.s32 $0x3;
	v4 =	vimm.f32 $0.0e+00;
	v6 =	vld.idx.msk [tilespmem:v6+s29+$0x0], $0xffff;
	v8 =	vor.u32 v11, v10  }
.LBB2_13:
0x24c: {  	v10 =	vmov s7;
	v4 =	vadd.f32 v9, v4;
	p0 =	sne.s32 s7, $0xF  }
.Ltmp5:
0x24d: {  	s7 =	sadd.s32 $0x1, s7;
	v9 =	vshll.u32 v10, $0x8;
	(pc) =	sbr.rel @p0 .LBB2_13-.Ltmp5, $4  }
0x24e: {  	v10 =	vshll.u32 v10, $0x7;
	v9 =	vand.u32 $0x800, v9  }
0x24f: {  	v10 =	vand.u32 $0x380, v10;
	v12 =	vmov v5;
	v11 =	vadd.s32 v2, v9;
	v5 =	vld.idx.msk [tilespmem:v7+s28+$0x0], $0xffff  }
0x250: {  	v7 =	vor.u32 v10, v11;
	v11 =	vadd.s32 v3, v9;
	v9 =	vmul.f32 v6, v12;
	v6 =	vld.idx.msk [tilespmem:v8+s29+$0x0], $0xffff  }
0x251: {  	v8 =	vor.u32 v10, v11  }
0x252: {  	_ =	sdelay $0x3  }
0x253: {  	v2 =	vld.idx.msk [tilespmem:v7+s28+$0x0], $0xffff  }
0x254: {  	v3 =	vld.idx.msk [tilespmem:v8+s29+$0x0], $0xffff;
	_ =	sdelay $0x2  }
0x255: {  	v4 =	vadd.f32 v9, v4;
	v5 =	vmul.f32 v6, v5;
	_ =	sdelay $0x1  }
0x256: {  	v4 =	vadd.f32 v5, v4;
	v2 =	vmul.f32 v3, v2;
	_ =	sdelay $0x1  }
0x257: {  	v2 =	vadd.f32 v2, v4;
	_ =	sdelay $0x1  }
0x258: {  	v2 =	vsub.f32 $0.0e+00, v2;
	_ =	sdelay $0x1  }
0x259: {  	v2 =	vmul.f32 $1.442695020e+00, v2;
	_ =	sdelay $0x1  }
0x25a: {  	(erf) = vpow2.f32 v2;
	_ =	sdelay $0x8  }
0x25b: {  	v2 =	vpop (erf)  }
0x25c: {  	v2 =	vadd.f32 $1.000000000e+00, v2;
	_ =	sdelay $0x1  }
0x25d: {  	(erf) = vrcp.f32 v2;
	_ =	sdelay $0x3  }
0x25e: {  	s0 =	sadd.s32 $0x1, s0  }
0x25f: {  	p0 =	sne.s32 s0, $0xF  }
.Ltmp6:
0x260: {  	_ = 	snop;
	(pc) =	sbr.rel @p0 .LBB2_6-.Ltmp6, $4  }
0x261: {  	_ = 	snop  }
0x262: {  	s3 =	sand.u32 $0x180, s3  }
0x263: {  	s3 =	sor.u32 s12, s3;
	v2 =	vpop (erf)  }
0x264: {  	[tilespmem:s3+$0x4800] =	vst v2  }
0x265: {  	v2 =	vld [tilespmem:$0x3F0]  }
0x266: {  	v3 =	vld [tilespmem:$0x370]  }
0x267: {  	s3 =	simm.s32 $0x0  }
0x268: {  	v4 =	vmov s3  }
0x269: {  	vm0 =	veq.s32 v4, v0  }
0x26a: {  	v4 =	vnsel vm0, $0x0, v2  }
0x26b: {  	v5 =	vnsel vm0, $0x0, v3;
	(xrf0) =	vadd.scan.msk.s32 $0xffff, v4  }
0x26c: {  	(xrf0) =	vadd.scan.msk.s32 $0xffff, v5;
	_ =	sdelay $0x4  }
0x26d: {  	v4, _, _ =	vpop (xrf0)  }
0x26e: {  	v5, _, _ =	vpop (xrf0);
	(v2sf) =	vpush v4, $0xF  }
0x26f: {  	(v2sf) =	vpush v5, $0xF;
	_ =	sdelay $0xc  }
0x270: {  	s12 =	simm.s32 $0x1  }
0x271: {  	s17 =	sand.u32 $0x70, s3;
	s8 =	sand.u32 $0x400, s3;
	s0 =	spop (v2sf)  }
0x272: {  	s5 =	spop (v2sf);
	s7 =	sshll.u32 s0, $0x3;
	s9 =	sand.u32 $0x70, s0  }
0x273: {  	s0 =	sor.u32 s17, s8;
	s8 =	simm.s32 $0x0;
	s6 =	sshll.u32 s5, $0x3  }
0x274: {  	s5 =	sand.u32 $0x70, s5;
	s18 =	sand.u32 $0xFFFFFC00, s7;
	s6 =	sand.u32 $0xFFFFFC00, s6  }
0x275: {  	s19 =	sor.u32 $0x1800, s0;
	s20 =	sor.u32 $0x1880, s0;
	s5 =	sor.u32 s5, s6  }
0x276: {  	s23 =	sor.u32 $0x1900, s0;
	s30 =	sor.u32 $0x1980, s0;
	s10 =	sshrl.u32 s5, $0x3  }
0x277: {  	s14 =	sor.u32 $0x1A00, s0;
	s6 =	sor.u32 s9, s18;
	s11 =	sadd.s32 s1, s10  }
0x278: {  	[tilespmem:s19], [sflag:$0x2] =	stream.linear.gather [hbm4b:s11+s4], $0x10, $0x38;
	[tilespmem:$0x4A00] =	vst v63  }
0x279: {  	s22 =	sadd.s32 $0x7A1400, s6;
	s5 =	sadd.s32 $0x7A1400, s5;
	s21 =	sadd.s32 $0x10, s11  }
0x27a: {  	[tilespmem:s20], [sflag:$0x2] =	stream.linear.gather [hbm4b:s21+s4], $0x10, $0x38;
	[tilespmem:$0x4A00] =	vst v63  }
0x27b: {  	s10 =	sshrl.u32 s6, $0x3;
	s7 =	sshrl.u32 s22, $0x3;
	s26 =	sadd.s32 $0x20, s11  }
0x27c: {  	[tilespmem:s23], [sflag:$0x2] =	stream.linear.gather [hbm4b:s26+s4], $0x10, $0x38;
	[tilespmem:$0x4A00] =	vst v63  }
0x27d: {  	s9 =	sshrl.u32 s5, $0x3;
	s31 =	sadd.s32 $0x30, s11;
	s13 =	sadd.s32 $0x40, s11  }
0x27e: {  	[tilespmem:s30], [sflag:$0x2] =	stream.linear.gather [hbm4b:s31+s4], $0x10, $0x38;
	[tilespmem:$0x4A00] =	vst v63  }
.LBB2_16:
0x27f: {  	v4 =	vmov s12;
	p0 =	sne.s32 s12, $0xF;
	s12 =	sadd.s32 $0x1, s12  }
0x280: {  	vm0 =	veq.s32 v4, v0;
	[tilespmem:s14], [sflag:$0x2] =	stream.linear.gather [hbm4b:s13+s4], $0x10, $0x38;
	[tilespmem:$0x4A00] =	vst v63  }
0x281: {  	s5 =	sadd.s32 $0x50, s11;
	s6 =	sor.u32 $0x1A80, s0;
	s13 =	sor.u32 $0x1B00, s0;
	v4 =	vnsel vm0, $0x0, v3;
	v5 =	vnsel vm0, $0x0, v2  }
0x282: {  	(xrf0) =	vadd.scan.msk.s32 $0xffff, v5  }
0x283: {  	[tilespmem:s6], [sflag:$0x2] =	stream.linear.gather [hbm4b:s5+s4], $0x10, $0x38;
	[tilespmem:$0x4A00] =	vst v63  }
0x284: {  	s5 =	sadd.s32 $0x60, s11;
	s6 =	sor.u32 $0x1B80, s0;
	(xrf0) =	vadd.scan.msk.s32 $0xffff, v4  }
0x285: {  	[tilespmem:s13], [sflag:$0x2] =	stream.linear.gather [hbm4b:s5+s4], $0x10, $0x38;
	[tilespmem:$0x4A00] =	vst v63  }
0x286: {  	s5 =	sadd.s32 $0x70, s11;
	s11 =	sor.u32 $0x3800, s0  }
0x287: {  	[tilespmem:s6], [sflag:$0x2] =	stream.linear.gather [hbm4b:s5+s4], $0x10, $0x38;
	[tilespmem:$0x4A00] =	vst v63  }
0x288: {  	s5 =	sadd.s32 s2, s10;
	s6 =	sor.u32 $0x3880, s0  }
0x289: {  	v4, _, _ =	vpop (xrf0);
	[tilespmem:s11], [sflag:$0x2] =	stream.linear.gather [hbm4b:s5+s4], $0x10, $0x38;
	[tilespmem:$0x4A00] =	vst v63  }
0x28a: {  	s10 =	sadd.s32 $0x10, s5;
	s11 =	sor.u32 $0x3900, s0;
	v5, _, _ =	vpop (xrf0)  }
0x28b: {  	[tilespmem:s6], [sflag:$0x2] =	stream.linear.gather [hbm4b:s10+s4], $0x10, $0x38;
	[tilespmem:$0x4A00] =	vst v63  }
0x28c: {  	s6 =	sadd.s32 $0x20, s5;
	s10 =	sor.u32 $0x3980, s0  }
0x28d: {  	[tilespmem:s11], [sflag:$0x2] =	stream.linear.gather [hbm4b:s6+s4], $0x10, $0x38;
	[tilespmem:$0x4A00] =	vst v63  }
0x28e: {  	s3 =	sadd.s32 $0x10, s3;
	s6 =	sadd.s32 $0x30, s5;
	s11 =	sor.u32 $0x3A00, s0  }
0x28f: {  	[tilespmem:s10], [sflag:$0x2] =	stream.linear.gather [hbm4b:s6+s4], $0x10, $0x38;
	[tilespmem:$0x4A00] =	vst v63  }
0x290: {  	s8 =	sadd.s32 $0x80, s8;
	s6 =	sadd.s32 $0x40, s5;
	s10 =	sor.u32 $0x3A80, s0  }
0x291: {  	(v2sf) =	vpush v4, $0xF;
	[tilespmem:s11], [sflag:$0x2] =	stream.linear.gather [hbm4b:s6+s4], $0x10, $0x38;
	[tilespmem:$0x4A00] =	vst v63  }
0x292: {  	s13 =	sor.u32 $0x4100, s0;
	s6 =	sadd.s32 $0x50, s5;
	s11 =	sor.u32 $0x3B00, s0  }
0x293: {  	[tilespmem:s10], [sflag:$0x2] =	stream.linear.gather [hbm4b:s6+s4], $0x10, $0x38;
	[tilespmem:$0x4A00] =	vst v63  }
0x294: {  	s14 =	sor.u32 $0x4080, s0;
	s6 =	sadd.s32 $0x60, s5;
	s10 =	sor.u32 $0x3B80, s0  }
0x295: {  	(v2sf) =	vpush v5, $0xF;
	[tilespmem:s11], [sflag:$0x2] =	stream.linear.gather [hbm4b:s6+s4], $0x10, $0x38;
	[tilespmem:$0x4A00] =	vst v63  }
0x296: {  	s15 =	sor.u32 $0x4000, s0;
	s5 =	sadd.s32 $0x70, s5;
	s6 =	sor.u32 $0x2000, s0  }
0x297: {  	[tilespmem:s10], [sflag:$0x2] =	stream.linear.gather [hbm4b:s5+s4], $0x10, $0x38;
	[tilespmem:$0x4A00] =	vst v63  }
0x298: {  	s5 =	sadd.s32 s1, s9;
	s9 =	sor.u32 $0x2080, s0;
	s10 =	sor.u32 $0x2280, s0  }
0x299: {  	[tilespmem:s6], [sflag:$0x2] =	stream.linear.gather [hbm4b:s5+s4], $0x10, $0x38;
	[tilespmem:$0x4A00] =	vst v63  }
0x29a: {  	s16 =	sor.u32 $0x2100, s0;
	s11 =	sadd.s32 s2, s7;
	s6 =	sadd.s32 $0x10, s5  }
0x29b: {  	[tilespmem:s9], [sflag:$0x2] =	stream.linear.gather [hbm4b:s6+s4], $0x10, $0x38;
	[tilespmem:$0x4A00] =	vst v63  }
0x29c: {  	s7 =	sor.u32 $0x2180, s0;
	s6 =	sadd.s32 $0x20, s5;
	s9 =	sor.u32 $0x2380, s0  }
0x29d: {  	[tilespmem:s16], [sflag:$0x2] =	stream.linear.gather [hbm4b:s6+s4], $0x10, $0x38;
	[tilespmem:$0x4A00] =	vst v63  }
0x29e: {  	s17 =	sadd.s32 $0x20, s11;
	s6 =	sadd.s32 $0x30, s5;
	s16 =	sor.u32 $0x2300, s0  }
0x29f: {  	[tilespmem:s7], [sflag:$0x2] =	stream.linear.gather [hbm4b:s6+s4], $0x10, $0x38;
	[tilespmem:$0x4A00] =	vst v63  }
0x2a0: {  	s18 =	sor.u32 $0x2200, s0;
	s7 =	sadd.s32 $0x40, s5;
	s6 =	spop (v2sf)  }
0x2a1: {  	[tilespmem:s18], [sflag:$0x2] =	stream.linear.gather [hbm4b:s7+s4], $0x10, $0x38;
	[tilespmem:$0x4A00] =	vst v63  }
0x2a2: {  	s19 =	sadd.s32 $0x60, s5;
	s7 =	sshll.u32 s6, $0x3;
	s18 =	sadd.s32 $0x50, s5  }
0x2a3: {  	[tilespmem:s10], [sflag:$0x2] =	stream.linear.gather [hbm4b:s18+s4], $0x10, $0x38;
	[tilespmem:$0x4A00] =	vst v63  }
0x2a4: {  	s6 =	sand.u32 $0x70, s6;
	s7 =	sand.u32 $0xFFFFFC00, s7;
	s10 =	spop (v2sf)  }
0x2a5: {  	[tilespmem:s16], [sflag:$0x2] =	stream.linear.gather [hbm4b:s19+s4], $0x10, $0x38;
	[tilespmem:$0x4A00] =	vst v63  }
0x2a6: {  	s5 =	sadd.s32 $0x70, s5;
	s6 =	sor.u32 s6, s7;
	s16 =	sshll.u32 s10, $0x3  }
0x2a7: {  	[tilespmem:s9], [sflag:$0x2] =	stream.linear.gather [hbm4b:s5+s4], $0x10, $0x38;
	[tilespmem:$0x4A00] =	vst v63  }
0x2a8: {  	s7 =	sand.u32 $0xFFFFFC00, s16;
	s5 =	sand.u32 $0x70, s10;
	s10 =	sshrl.u32 s6, $0x3  }
0x2a9: {  	[tilespmem:s15], [sflag:$0x2] =	stream.linear.gather [hbm4b:s11+s4], $0x10, $0x38;
	[tilespmem:$0x4A00] =	vst v63  }
0x2aa: {  	s6 =	sadd.s32 $0x7A1400, s6;
	s5 =	sor.u32 s5, s7;
	s7 =	sadd.s32 $0x10, s11  }
0x2ab: {  	[tilespmem:s14], [sflag:$0x2] =	stream.linear.gather [hbm4b:s7+s4], $0x10, $0x38;
	[tilespmem:$0x4A00] =	vst v63  }
0x2ac: {  	s14 =	sshrl.u32 s5, $0x3;
	s5 =	sadd.s32 $0x7A1400, s5;
	s7 =	sshrl.u32 s6, $0x3  }
0x2ad: {  	[tilespmem:s13], [sflag:$0x2] =	stream.linear.gather [hbm4b:s17+s4], $0x10, $0x38;
	[tilespmem:$0x4A00] =	vst v63  }
0x2ae: {  	s6 =	sor.u32 $0x4180, s0;
	s9 =	sshrl.u32 s5, $0x3;
	s5 =	sadd.s32 $0x30, s11  }
0x2af: {  	[tilespmem:s6], [sflag:$0x2] =	stream.linear.gather [hbm4b:s5+s4], $0x10, $0x38;
	[tilespmem:$0x4A00] =	vst v63  }
0x2b0: {  	s5 =	sadd.s32 $0x40, s11;
	s6 =	sor.u32 $0x4200, s0  }
0x2b1: {  	[tilespmem:s6], [sflag:$0x2] =	stream.linear.gather [hbm4b:s5+s4], $0x10, $0x38;
	[tilespmem:$0x4A00] =	vst v63  }
0x2b2: {  	s5 =	sadd.s32 $0x50, s11;
	s6 =	sor.u32 $0x4280, s0  }
0x2b3: {  	[tilespmem:s6], [sflag:$0x2] =	stream.linear.gather [hbm4b:s5+s4], $0x10, $0x38;
	[tilespmem:$0x4A00] =	vst v63  }
0x2b4: {  	s5 =	sadd.s32 $0x60, s11;
	s6 =	sor.u32 $0x4300, s0;
	s0 =	sor.u32 $0x4380, s0  }
0x2b5: {  	[tilespmem:s6], [sflag:$0x2] =	stream.linear.gather [hbm4b:s5+s4], $0x10, $0x38;
	[tilespmem:$0x4A00] =	vst v63  }
0x2b6: {  	s11 =	sadd.s32 $0x70, s11;
	s5 =	sand.u32 $0x70, s3;
	s6 =	sand.u32 $0x400, s8  }
0x2b7: {  	[tilespmem:s0], [sflag:$0x2] =	stream.linear.gather [hbm4b:s11+s4], $0x10, $0x38;
	[tilespmem:$0x4A00] =	vst v63  }
0x2b8: {  	s0 =	sor.u32 s5, s6  }
0x2b9: {  	s11 =	sadd.s32 s1, s14;
	s5 =	sor.u32 $0x1800, s0;
	s6 =	sor.u32 $0x1880, s0  }
0x2ba: {  	[tilespmem:s5], [sflag:$0x2] =	stream.linear.gather [hbm4b:s11+s4], $0x10, $0x38;
	[tilespmem:$0x4A00] =	vst v63  }
0x2bb: {  	s14 =	sor.u32 $0x1900, s0;
	s13 =	sadd.s32 $0x40, s11;
	s5 =	sadd.s32 $0x10, s11  }
0x2bc: {  	[tilespmem:s6], [sflag:$0x2] =	stream.linear.gather [hbm4b:s5+s4], $0x10, $0x38;
	[tilespmem:$0x4A00] =	vst v63  }
.Ltmp7:
0x2bd: {  	_ = 	snop;
	(pc) =	sbr.rel @p0 .LBB2_16-.Ltmp7, $4  }
0x2be: {  	s5 =	sadd.s32 $0x20, s11;
	s6 =	sor.u32 $0x1980, s0  }
0x2bf: {  	[tilespmem:s14], [sflag:$0x2] =	stream.linear.gather [hbm4b:s5+s4], $0x10, $0x38;
	[tilespmem:$0x4A00] =	vst v63  }
0x2c0: {  	s5 =	sadd.s32 $0x30, s11;
	s14 =	sor.u32 $0x1A00, s0  }
0x2c1: {  	[tilespmem:s6], [sflag:$0x2] =	stream.linear.gather [hbm4b:s5+s4], $0x10, $0x38;
	[tilespmem:$0x4A00] =	vst v63  }
0x2c2: {  	[tilespmem:s14], [sflag:$0x2] =	stream.linear.gather [hbm4b:s13+s4], $0x10, $0x38;
	[tilespmem:$0x4A00] =	vst v63  }
0x2c3: {  	s3 =	sadd.s32 $0x50, s11;
	s5 =	sor.u32 $0x1A80, s0  }
0x2c4: {  	[tilespmem:s5], [sflag:$0x2] =	stream.linear.gather [hbm4b:s3+s4], $0x10, $0x38;
	[tilespmem:$0x4A00] =	vst v63  }
0x2c5: {  	s12 =	sor.u32 $0x1B00, s0;
	s13 =	sadd.s32 $0x60, s11  }
0x2c6: {  	[tilespmem:s12], [sflag:$0x2] =	stream.linear.gather [hbm4b:s13+s4], $0x10, $0x38;
	[tilespmem:$0x4A00] =	vst v63  }
0x2c7: {  	s14 =	sor.u32 $0x1B80, s0;
	s15 =	sadd.s32 $0x70, s11  }
0x2c8: {  	[tilespmem:s14], [sflag:$0x2] =	stream.linear.gather [hbm4b:s15+s4], $0x10, $0x38;
	[tilespmem:$0x4A00] =	vst v63  }
0x2c9: {  	s16 =	sor.u32 $0x3800, s0;
	s17 =	sadd.s32 s2, s10  }
0x2ca: {  	[tilespmem:s16], [sflag:$0x2] =	stream.linear.gather [hbm4b:s17+s4], $0x10, $0x38;
	[tilespmem:$0x4A00] =	vst v63  }
0x2cb: {  	s18 =	sor.u32 $0x3880, s0;
	s6 =	sadd.s32 $0x10, s17  }
0x2cc: {  	[tilespmem:s18], [sflag:$0x2] =	stream.linear.gather [hbm4b:s6+s4], $0x10, $0x38;
	[tilespmem:$0x4A00] =	vst v63  }
0x2cd: {  	s19 =	sor.u32 $0x3900, s0;
	s20 =	sadd.s32 $0x20, s17  }
0x2ce: {  	[tilespmem:s19], [sflag:$0x2] =	stream.linear.gather [hbm4b:s20+s4], $0x10, $0x38;
	[tilespmem:$0x4A00] =	vst v63  }
0x2cf: {  	s21 =	sor.u32 $0x3980, s0;
	s22 =	sadd.s32 $0x30, s17  }
0x2d0: {  	[tilespmem:s21], [sflag:$0x2] =	stream.linear.gather [hbm4b:s22+s4], $0x10, $0x38;
	[tilespmem:$0x4A00] =	vst v63  }
0x2d1: {  	s23 =	sor.u32 $0x3A00, s0;
	s26 =	sadd.s32 $0x40, s17  }
0x2d2: {  	[tilespmem:s23], [sflag:$0x2] =	stream.linear.gather [hbm4b:s26+s4], $0x10, $0x38;
	[tilespmem:$0x4A00] =	vst v63  }
0x2d3: {  	s30 =	sor.u32 $0x3A80, s0;
	s31 =	sadd.s32 $0x50, s17  }
0x2d4: {  	[tilespmem:s30], [sflag:$0x2] =	stream.linear.gather [hbm4b:s31+s4], $0x10, $0x38;
	[tilespmem:$0x4A00] =	vst v63  }
0x2d5: {  	s8 =	sor.u32 $0x3B00, s0;
	s10 =	sadd.s32 $0x60, s17  }
0x2d6: {  	[tilespmem:s8], [sflag:$0x2] =	stream.linear.gather [hbm4b:s10+s4], $0x10, $0x38;
	[tilespmem:$0x4A00] =	vst v63  }
0x2d7: {  	s11 =	sor.u32 $0x3B80, s0;
	s5 =	sadd.s32 $0x70, s17  }
0x2d8: {  	[tilespmem:s11], [sflag:$0x2] =	stream.linear.gather [hbm4b:s5+s4], $0x10, $0x38;
	[tilespmem:$0x4A00] =	vst v63  }
0x2d9: {  	s12 =	sor.u32 $0x2000, s0;
	s13 =	sadd.s32 s1, s9  }
0x2da: {  	[tilespmem:s12], [sflag:$0x2] =	stream.linear.gather [hbm4b:s13+s4], $0x10, $0x38;
	[tilespmem:$0x4A00] =	vst v63  }
0x2db: {  	s14 =	sor.u32 $0x2080, s0;
	s15 =	sadd.s32 $0x10, s13  }
0x2dc: {  	[tilespmem:s14], [sflag:$0x2] =	stream.linear.gather [hbm4b:s15+s4], $0x10, $0x38;
	[tilespmem:$0x4A00] =	vst v63  }
0x2dd: {  	s16 =	sor.u32 $0x2100, s0;
	s17 =	sadd.s32 $0x20, s13  }
0x2de: {  	[tilespmem:s16], [sflag:$0x2] =	stream.linear.gather [hbm4b:s17+s4], $0x10, $0x38;
	[tilespmem:$0x4A00] =	vst v63  }
0x2df: {  	s18 =	sor.u32 $0x2180, s0;
	s19 =	sadd.s32 $0x30, s13  }
0x2e0: {  	[tilespmem:s18], [sflag:$0x2] =	stream.linear.gather [hbm4b:s19+s4], $0x10, $0x38;
	[tilespmem:$0x4A00] =	vst v63  }
0x2e1: {  	s20 =	sadd.s32 $0x40, s13;
	s21 =	sor.u32 $0x2200, s0  }
0x2e2: {  	[tilespmem:s21], [sflag:$0x2] =	stream.linear.gather [hbm4b:s20+s4], $0x10, $0x38;
	[tilespmem:$0x4A00] =	vst v63  }
0x2e3: {  	s22 =	sor.u32 $0x2280, s0;
	s23 =	sadd.s32 $0x50, s13  }
0x2e4: {  	[tilespmem:s22], [sflag:$0x2] =	stream.linear.gather [hbm4b:s23+s4], $0x10, $0x38;
	[tilespmem:$0x4A00] =	vst v63  }
0x2e5: {  	s26 =	sor.u32 $0x2300, s0;
	s30 =	sadd.s32 $0x60, s13  }
0x2e6: {  	[tilespmem:s26], [sflag:$0x2] =	stream.linear.gather [hbm4b:s30+s4], $0x10, $0x38;
	[tilespmem:$0x4A00] =	vst v63  }
0x2e7: {  	s31 =	sor.u32 $0x2380, s0;
	s5 =	sadd.s32 $0x70, s13  }
0x2e8: {  	[tilespmem:s31], [sflag:$0x2] =	stream.linear.gather [hbm4b:s5+s4], $0x10, $0x38;
	[tilespmem:$0x4A00] =	vst v63  }
0x2e9: {  	s6 =	sor.u32 $0x4000, s0;
	s8 =	sadd.s32 s2, s7  }
0x2ea: {  	[tilespmem:s6], [sflag:$0x2] =	stream.linear.gather [hbm4b:s8+s4], $0x10, $0x38;
	[tilespmem:$0x4A00] =	vst v63  }
0x2eb: {  	s9 =	sor.u32 $0x4080, s0;
	s10 =	sadd.s32 $0x10, s8  }
0x2ec: {  	[tilespmem:s9], [sflag:$0x2] =	stream.linear.gather [hbm4b:s10+s4], $0x10, $0x38;
	[tilespmem:$0x4A00] =	vst v63  }
0x2ed: {  	s11 =	sor.u32 $0x4100, s0;
	s12 =	sadd.s32 $0x20, s8  }
0x2ee: {  	[tilespmem:s11], [sflag:$0x2] =	stream.linear.gather [hbm4b:s12+s4], $0x10, $0x38;
	[tilespmem:$0x4A00] =	vst v63  }
0x2ef: {  	s13 =	sadd.s32 $0x30, s8;
	s14 =	sor.u32 $0x4180, s0  }
0x2f0: {  	[tilespmem:s14], [sflag:$0x2] =	stream.linear.gather [hbm4b:s13+s4], $0x10, $0x38;
	[tilespmem:$0x4A00] =	vst v63  }
0x2f1: {  	s15 =	sadd.s32 $0x40, s8;
	s16 =	sor.u32 $0x4200, s0  }
0x2f2: {  	[tilespmem:s16], [sflag:$0x2] =	stream.linear.gather [hbm4b:s15+s4], $0x10, $0x38;
	[tilespmem:$0x4A00] =	vst v63  }
0x2f3: {  	s17 =	sadd.s32 $0x50, s8;
	s18 =	sor.u32 $0x4280, s0  }
0x2f4: {  	[tilespmem:s18], [sflag:$0x2] =	stream.linear.gather [hbm4b:s17+s4], $0x10, $0x38;
	[tilespmem:$0x4A00] =	vst v63  }
0x2f5: {  	s19 =	sadd.s32 $0x60, s8;
	s20 =	sor.u32 $0x4300, s0  }
0x2f6: {  	[tilespmem:s20], [sflag:$0x2] =	stream.linear.gather [hbm4b:s19+s4], $0x10, $0x38;
	[tilespmem:$0x4A00] =	vst v63  }
0x2f7: {  	s21 =	sor.u32 $0x4380, s0;
	s22 =	sadd.s32 $0x70, s8;
	s23 =	simm.s32 $0x1  }
0x2f8: {  	[tilespmem:s21], [sflag:$0x2] =	stream.linear.gather [hbm4b:s22+s4], $0x10, $0x38;
	[tilespmem:$0x4A00] =	vst v63  }
0x2f9: {  	_ =	swait.ge [sflag:s23], $0x1000  }
0x2fa: {  	[sflag:s23] =	ssyncset.done $0x0  }
0x2fb: {  	[sflag:s23] =	ssyncadd.s32 $0xFFFFF000  }
0x2fc: {  	_ =	swait.ge [sflag:s23], $0x1000  }
0x2fd: {  	[sflag:s23] =	ssyncset.done $0x0  }
0x2fe: {  	[sflag:s23] =	ssyncadd.s32 $0xFFFFF000  }
0x2ff: {  	v2 =	vld [tilespmem:$0x760];
	_ =	sdelay $0x2  }
0x300: {  	v3 =	vld [tilespmem:$0x7E0];
	_ =	sdelay $0x1  }
0x301: {  	v2 =	vadd.s32 v1, v2  }
0x302: {  	v4 =	vshll.u32 v2, $0x3  }
0x303: {  	s26 =	simm.s32 $0x0;
	v2 =	vand.u32 $0x7F, v2;
	v4 =	vand.u32 $0xFFFFFC00, v4  }
0x304: {  	v3 =	vadd.s32 v1, v3;
	v2 =	vor.u32 v2, v4;
	v4 =	vmov s26  }
0x305: {  	v5 =	vand.u32 $0x7F, v3;
	v3 =	vshll.u32 v3, $0x3;
	v6 =	vshll.u32 v4, $0x8  }
0x306: {  	v3 =	vand.u32 $0xFFFFFC00, v3;
	v4 =	vshll.u32 v4, $0x7;
	v6 =	vand.u32 $0x800, v6  }
0x307: {  	v3 =	vor.u32 v5, v3;
	v4 =	vand.u32 $0x380, v4;
	v5 =	vadd.s32 v2, v6  }
0x308: {  	v6 =	vadd.s32 v3, v6;
	v5 =	vor.u32 v4, v5  }
0x309: {  	s30 =	simm.s32 $0x1;
	v4 =	vor.u32 v4, v6  }
0x30a: {  	v6 =	vmov s30  }
0x30b: {  	v7 =	vshll.u32 v6, $0x8  }
0x30c: {  	v6 =	vshll.u32 v6, $0x7;
	v7 =	vand.u32 $0x800, v7  }
0x30d: {  	v6 =	vand.u32 $0x380, v6;
	v8 =	vadd.s32 v2, v7;
	v9 =	vld.idx.msk [tilespmem:v5+s24+$0x0], $0xffff  }
0x30e: {  	s31 =	simm.s32 $0x2;
	v7 =	vadd.s32 v3, v7;
	v5 =	vor.u32 v6, v8;
	v8 =	vld.idx.msk [tilespmem:v4+s25+$0x0], $0xffff  }
0x30f: {  	v6 =	vor.u32 v6, v7;
	v7 =	vmov s31  }
0x310: {  	v10 =	vshll.u32 v7, $0x8  }
0x311: {  	v7 =	vshll.u32 v7, $0x7;
	v10 =	vand.u32 $0x800, v10  }
0x312: {  	v11 =	vand.u32 $0x380, v7;
	v7 =	vadd.s32 v2, v10  }
0x313: {  	v10 =	vadd.s32 v3, v10;
	v7 =	vor.u32 v11, v7;
	v5 =	vld.idx.msk [tilespmem:v5+s24+$0x0], $0xffff;
	v9 =	vmul.f32 v8, v9  }
0x314: {  	s0 =	simm.s32 $0x3;
	v4 =	vimm.f32 $0.0e+00;
	v6 =	vld.idx.msk [tilespmem:v6+s25+$0x0], $0xffff;
	v8 =	vor.u32 v11, v10  }
.LBB2_18:
0x315: {  	v10 =	vmov s0;
	v4 =	vadd.f32 v9, v4;
	p0 =	sne.s32 s0, $0xF  }
.Ltmp8:
0x316: {  	s0 =	sadd.s32 $0x1, s0;
	v9 =	vshll.u32 v10, $0x8;
	(pc) =	sbr.rel @p0 .LBB2_18-.Ltmp8, $4  }
0x317: {  	v10 =	vshll.u32 v10, $0x7;
	v9 =	vand.u32 $0x800, v9  }
0x318: {  	v10 =	vand.u32 $0x380, v10;
	v12 =	vmov v5;
	v11 =	vadd.s32 v2, v9;
	v5 =	vld.idx.msk [tilespmem:v7+s24+$0x0], $0xffff  }
0x319: {  	v7 =	vor.u32 v10, v11;
	v11 =	vadd.s32 v3, v9;
	v9 =	vmul.f32 v6, v12;
	v6 =	vld.idx.msk [tilespmem:v8+s25+$0x0], $0xffff  }
0x31a: {  	v8 =	vor.u32 v10, v11  }
0x31b: {  	_ =	sdelay $0x3  }
0x31c: {  	v2 =	vld.idx.msk [tilespmem:v7+s24+$0x0], $0xffff  }
0x31d: {  	v3 =	vld.idx.msk [tilespmem:v8+s25+$0x0], $0xffff;
	_ =	sdelay $0x2  }
0x31e: {  	v4 =	vadd.f32 v9, v4;
	v5 =	vmul.f32 v6, v5;
	_ =	sdelay $0x1  }
0x31f: {  	v4 =	vadd.f32 v5, v4;
	v2 =	vmul.f32 v3, v2;
	_ =	sdelay $0x1  }
0x320: {  	v2 =	vadd.f32 v2, v4;
	_ =	sdelay $0x1  }
0x321: {  	v2 =	vsub.f32 $0.0e+00, v2;
	_ =	sdelay $0x1  }
0x322: {  	v2 =	vmul.f32 $1.442695020e+00, v2;
	_ =	sdelay $0x1  }
0x323: {  	(erf) = vpow2.f32 v2;
	_ =	sdelay $0x8  }
0x324: {  	v2 =	vpop (erf)  }
0x325: {  	v2 =	vadd.f32 $1.000000000e+00, v2;
	_ =	sdelay $0x1  }
0x326: {  	(erf) = vrcp.f32 v2;
	_ =	sdelay $0x8  }
0x327: {  	v2 =	vpop (erf)  }
0x328: {  	s0 =	simm.s32 $0x2;
	[tilespmem:$0x49E0] =	vst v2  }
0x329: {  	_ =	swait.ge [sflag:s0], $0x1000  }
0x32a: {  	[sflag:s0] =	ssyncset.done $0x0  }
0x32b: {  	[sflag:s0] =	ssyncadd.s32 $0xFFFFF000  }
0x32c: {  	_ =	swait.ge [sflag:s0], $0x1000  }
0x32d: {  	[sflag:s0] =	ssyncset.done $0x0  }
0x32e: {  	[sflag:s0] =	ssyncadd.s32 $0xFFFFF000  }
0x32f: {  	v2 =	vld [tilespmem:$0x770];
	_ =	sdelay $0x2  }
0x330: {  	v3 =	vld [tilespmem:$0x7F0];
	_ =	sdelay $0x1  }
0x331: {  	v2 =	vadd.s32 v1, v2  }
0x332: {  	v4 =	vshll.u32 v2, $0x3  }
0x333: {  	s26 =	simm.s32 $0x0;
	v2 =	vand.u32 $0x7F, v2;
	v4 =	vand.u32 $0xFFFFFC00, v4  }
0x334: {  	v3 =	vadd.s32 v1, v3;
	v2 =	vor.u32 v2, v4;
	v4 =	vmov s26  }
0x335: {  	v5 =	vand.u32 $0x7F, v3;
	v3 =	vshll.u32 v3, $0x3;
	v6 =	vshll.u32 v4, $0x8  }
0x336: {  	v3 =	vand.u32 $0xFFFFFC00, v3;
	v4 =	vshll.u32 v4, $0x7;
	v6 =	vand.u32 $0x800, v6  }
0x337: {  	v3 =	vor.u32 v5, v3;
	v4 =	vand.u32 $0x380, v4;
	v5 =	vadd.s32 v2, v6  }
0x338: {  	v6 =	vadd.s32 v3, v6;
	v5 =	vor.u32 v4, v5  }
0x339: {  	s30 =	simm.s32 $0x1;
	v4 =	vor.u32 v4, v6  }
0x33a: {  	v6 =	vmov s30  }
0x33b: {  	v7 =	vshll.u32 v6, $0x8  }
0x33c: {  	v6 =	vshll.u32 v6, $0x7;
	v7 =	vand.u32 $0x800, v7  }
0x33d: {  	v6 =	vand.u32 $0x380, v6;
	v8 =	vadd.s32 v2, v7;
	v9 =	vld.idx.msk [tilespmem:v5+s28+$0x0], $0xffff  }
0x33e: {  	s31 =	simm.s32 $0x2;
	v7 =	vadd.s32 v3, v7;
	v5 =	vor.u32 v6, v8;
	v8 =	vld.idx.msk [tilespmem:v4+s29+$0x0], $0xffff  }
0x33f: {  	v6 =	vor.u32 v6, v7;
	v7 =	vmov s31  }
0x340: {  	v10 =	vshll.u32 v7, $0x8  }
0x341: {  	v7 =	vshll.u32 v7, $0x7;
	v10 =	vand.u32 $0x800, v10  }
0x342: {  	v11 =	vand.u32 $0x380, v7;
	v7 =	vadd.s32 v2, v10  }
0x343: {  	v10 =	vadd.s32 v3, v10;
	v7 =	vor.u32 v11, v7;
	v5 =	vld.idx.msk [tilespmem:v5+s28+$0x0], $0xffff;
	v9 =	vmul.f32 v8, v9  }
0x344: {  	s5 =	simm.s32 $0x3;
	s0 =	simm.s32 $0x3;
	v4 =	vimm.f32 $0.0e+00;
	v6 =	vld.idx.msk [tilespmem:v6+s29+$0x0], $0xffff;
	v8 =	vor.u32 v11, v10  }
.LBB2_20:
0x345: {  	v10 =	vmov s0;
	v4 =	vadd.f32 v9, v4;
	p0 =	sne.s32 s0, $0xF  }
.Ltmp9:
0x346: {  	s0 =	sadd.s32 $0x1, s0;
	v9 =	vshll.u32 v10, $0x8;
	(pc) =	sbr.rel @p0 .LBB2_20-.Ltmp9, $4  }
0x347: {  	v10 =	vshll.u32 v10, $0x7;
	v9 =	vand.u32 $0x800, v9  }
0x348: {  	v10 =	vand.u32 $0x380, v10;
	v12 =	vmov v5;
	v11 =	vadd.s32 v2, v9;
	v5 =	vld.idx.msk [tilespmem:v7+s28+$0x0], $0xffff  }
0x349: {  	v7 =	vor.u32 v10, v11;
	v11 =	vadd.s32 v3, v9;
	v9 =	vmul.f32 v6, v12;
	v6 =	vld.idx.msk [tilespmem:v8+s29+$0x0], $0xffff  }
0x34a: {  	v8 =	vor.u32 v10, v11  }
0x34b: {  	_ =	sdelay $0x3  }
0x34c: {  	v2 =	vld.idx.msk [tilespmem:v7+s28+$0x0], $0xffff  }
0x34d: {  	v3 =	vld.idx.msk [tilespmem:v8+s29+$0x0], $0xffff;
	_ =	sdelay $0x2  }
0x34e: {  	v4 =	vadd.f32 v9, v4;
	v5 =	vmul.f32 v6, v5;
	_ =	sdelay $0x1  }
0x34f: {  	v4 =	vadd.f32 v5, v4;
	v2 =	vmul.f32 v3, v2;
	_ =	sdelay $0x1  }
0x350: {  	v2 =	vadd.f32 v2, v4;
	_ =	sdelay $0x1  }
0x351: {  	v2 =	vsub.f32 $0.0e+00, v2;
	_ =	sdelay $0x1  }
0x352: {  	v2 =	vmul.f32 $1.442695020e+00, v2;
	_ =	sdelay $0x1  }
0x353: {  	(erf) = vpow2.f32 v2;
	_ =	sdelay $0x8  }
0x354: {  	v2 =	vpop (erf)  }
0x355: {  	v2 =	vadd.f32 $1.000000000e+00, v2;
	_ =	sdelay $0x1  }
0x356: {  	(erf) = vrcp.f32 v2;
	_ =	sdelay $0x8  }
0x357: {  	v2 =	vpop (erf)  }
0x358: {  	s0 =	rddreg [dreg:$0x8];
	s3 =	simm.s32 $0x4800;
	[tilespmem:$0x49F0] =	vst v2  }
0x359: {  	[hbm4b:s0+s4] =	stream.linear.scatter [tilespmem:s3], [sflag:$0x3], $0x200, $0x38;
	[tilespmem:$0x4A00] =	vst v63  }
0x35a: {  	_ =	swait.ge [sflag:s5], $0x200  }
0x35b: {  	s30 =	rddreg [dreg:$0x10]  }
0x35c: {  	s31 =	rddreg [dreg:$0x9];
	s3 =	sadd.s32 $0x1, s30  }
0x35d: {  	p0 =	sne.s32 s3, s31  }
.Ltmp10:
0x35e: {  	_ = 	snop;
	(pc) =	sbr.rel @p0 .LBB2_1-.Ltmp10, $3  }
0x35f: {  	_ =	sdelay $0x1  }
0x360: {  	[sflag:s5] =	ssyncset.done $0x0  }
0x361: {  	[sflag:s5] =	ssyncadd.s32 $0xFFFFFE00  }
0x362: {  	_ =	sfence.sel $0x180000  }
0x363: {  	[bflag:$0x0] =	sbarrier.arrive $0xFFFF  }
0x364: {  	_ =	strace $0x90000047  }
0x365: {  	s0 =	stileid.u32;
	[bflag:$0x2] =	sbarrier.arrive $0xFFFF  }
0x366: {  	p0 =	sne.s32 s0, $0x0;
	s0 =	rddreg [dreg:$0x5]  }
0x367: {  	s0 =	sadd.s32 @!p0 $0x100000, s0  }
0x368: {  	[sflag:s0] =	ssyncadd.tile.s32 @!p0 $0x1;
	_ =	shalt  }
.Lfunc_end2:
_tile_overlayer_lowered:
.L_overlay_start_2:
0x369: {  	(tag) =	ssettag $0x2  }
0x36a: {  	s0 =	rddreg [dreg:$0x0];
	s2 =	stileid.u32  }
0x36b: {  	s1 =	rddreg [dreg:$0x1];
	p0 =	sne.s32 s2, $0x0  }
0x36c: {  	s3 =	rddreg [dreg:$0x2];
	[bflag:$0x3] =	sbarrier.arrive $0xFFFF;
	s2 =	simm.s32 @!p0 $0x1C03  }
0x36d: {  	[timem:s3], [sflag:s2] =	dma.local @!p0 [hbm:s0], s1  }
0x36e: {  	s0 =	simm.s32 @!p0 $0x3  }
0x36f: {  	_ =	swait.ge @!p0 [sflag:s0], s1  }
0x370: {  	s1 =	ssub.s32 @!p0 $0x0, s1;
	[sflag:s0] =	ssyncset.done @!p0 $0x0  }
0x371: {  	[sflag:s0] =	ssyncadd.s32 @!p0 s1  }
0x372: {  	[bflag:$0x3] =	sbarrier.arrive $0xFFFF  }
0x373: {  	_ =	shalt  }

</sc_bundles>
